<compile_context>
chip_gen: v7x
topology: tpu7x:2x2x1
jax: 0.10.2.dev20260603
libtpu: 0.0.44.dev20260713+nightly
codegen_flags: <defaults>
</compile_context>

<pallas_src>
import functools

import jax
import jax.numpy as jnp
from jax import lax
from jax.experimental import pallas as pl
from jax.experimental.pallas import tpu as pltpu
from jax.experimental.pallas import tpu_sc as plsc

_EOS_COEF = 0.5
_W_CLASS = 1.0
_W_POINT = 0.05
_L = 16


def _sqrt16(x):
    xi = lax.bitcast_convert_type(x, jnp.int32)
    yi = jnp.int32(0x5F3759DF) - lax.shift_right_logical(xi, 1)
    y = lax.bitcast_convert_type(yi, jnp.float32)
    half = 0.5 * x
    y = y * (1.5 - half * y * y)
    y = y * (1.5 - half * y * y)
    y = y * (1.5 - half * y * y)
    return x * y


def _make_sc_matcher(b_total, n, t):
    mesh = plsc.VectorSubcoreMesh(core_axis_name="c", subcore_axis_name="s")
    n_chunks = n // _L

    def body(l0_hbm, l1_hbm, px_hbm, py_hbm, gx_hbm, gy_hbm,
             mask_hbm, sp_hbm,
             l0v, l1v, pxv, pyv, basev, gxv, gyv, spv):
        cid = lax.axis_index("c")
        sid = lax.axis_index("s")
        wid = sid * 2 + cid

        @pl.when(wid < b_total)
        def _():
            b = wid
            pltpu.sync_copy(l0_hbm.at[pl.ds(b * n, n)], l0v)
            pltpu.sync_copy(l1_hbm.at[pl.ds(b * n, n)], l1v)
            pltpu.sync_copy(px_hbm.at[pl.ds(b * n, n)], pxv)
            pltpu.sync_copy(py_hbm.at[pl.ds(b * n, n)], pyv)
            pltpu.sync_copy(gx_hbm.at[pl.ds(b * t, t)], gxv)
            pltpu.sync_copy(gy_hbm.at[pl.ds(b * t, t)], gyv)

            lanes = lax.iota(jnp.int32, _L)
            lane0 = lanes == 0
            inf_v = jnp.full((_L,), jnp.float32(jnp.inf))

            def init_chunk(i, carry):
                sl = pl.ds(i * _L, _L)
                l0 = l0v[sl]
                l1 = l1v[sl]
                m = jnp.maximum(l0, l1)
                e0 = jnp.exp(l0 - m)
                e1 = jnp.exp(l1 - m)
                basev[sl] = _W_CLASS * (-(e1 / (e0 + e1)))
                return carry

            lax.fori_loop(0, n_chunks, init_chunk, 0)

            def step(j, sp_acc):
                jv = jnp.broadcast_to(j, (_L,))
                gx = plsc.load_gather(gxv, [jv])
                gy = plsc.load_gather(gyv, [jv])

                def chunk(i, mcarry):
                    mv, mi = mcarry
                    sl = pl.ds(i * _L, _L)
                    dx = pxv[sl] - gx
                    dy = pyv[sl] - gy
                    d2 = dx * dx + dy * dy
                    col = basev[sl] + _W_POINT * _sqrt16(d2)
                    upd = col < mv
                    idx = jnp.broadcast_to(i * _L, (_L,)) + lanes
                    mv = jnp.where(upd, col, mv)
                    mi = jnp.where(upd, idx, mi)
                    return mv, mi

                mv, mi = lax.fori_loop(
                    0, n_chunks, chunk,
                    (inf_v, jnp.full((_L,), jnp.int32(n))))
                m_all = jnp.min(mv)
                cand = jnp.where(mv == m_all, mi, jnp.int32(2 * n))
                r = jnp.min(cand)
                rv = jnp.broadcast_to(r, (_L,))
                dxr = plsc.load_gather(pxv, [rv]) - gx
                dyr = plsc.load_gather(pyv, [rv]) - gy
                d2r = dxr * dxr + dyr * dyr
                plsc.store_scatter(basev, [rv], inf_v, mask=lane0)
                return sp_acc + jnp.sum(jnp.where(lane0, d2r, 0.0))

            sp_total = lax.fori_loop(0, t, step, jnp.float32(0.0))
            spv[...] = jnp.where(lane0, sp_total, 0.0)

            def mask_chunk(i, carry):
                sl = pl.ds(i * _L, _L)
                l0v[sl] = jnp.where(basev[sl] == jnp.float32(jnp.inf), 1.0, 0.0)
                return carry

            lax.fori_loop(0, n_chunks, mask_chunk, 0)
            pltpu.sync_copy(l0v, mask_hbm.at[pl.ds(b * n, n)])
            pltpu.sync_copy(spv, sp_hbm.at[pl.ds(b * _L, _L)])

    return pl.kernel(
        body,
        mesh=mesh,
        compiler_params=pltpu.CompilerParams(needs_layout_passes=False),
        out_type=[
            jax.ShapeDtypeStruct((b_total * n,), jnp.float32),
            jax.ShapeDtypeStruct((b_total * _L,), jnp.float32),
        ],
        scratch_types=[
            pltpu.VMEM((n,), jnp.float32),
            pltpu.VMEM((n,), jnp.float32),
            pltpu.VMEM((n,), jnp.float32),
            pltpu.VMEM((n,), jnp.float32),
            pltpu.VMEM((n,), jnp.float32),
            pltpu.VMEM((t,), jnp.float32),
            pltpu.VMEM((t,), jnp.float32),
            pltpu.VMEM((_L,), jnp.float32),
        ],
    )


def _tc_loss_kernel(t, l0_ref, l1_ref, mk_ref, sp_ref, out_ref):
    l0 = l0_ref[...]
    l1 = l1_ref[...]
    b, n = l0.shape
    m = jnp.maximum(l0, l1)
    e0 = jnp.exp(l0 - m)
    e1 = jnp.exp(l1 - m)
    logz = jnp.log(e0 + e1)
    nll0 = -(l0 - m - logz)
    nll1 = -(l1 - m - logz)
    mk = mk_ref[...] > 0.5
    s1 = jnp.sum(jnp.where(mk, nll1, 0.0))
    s0 = jnp.sum(jnp.where(mk, 0.0, nll0))
    sp = jnp.sum(sp_ref[...])
    wsum = jnp.float32(b * t * 1.0 + (b * n - b * t) * _EOS_COEF)
    loss_ce = (s1 + _EOS_COEF * s0) / wsum
    loss_pt = sp / jnp.float32(b * t)
    rowi = lax.broadcasted_iota(jnp.int32, (8, 128), 0)
    out_ref[...] = jnp.where(rowi == 0,
                             jnp.full((8, 128), loss_ce, jnp.float32),
                             jnp.full((8, 128), loss_pt, jnp.float32))


def kernel(pred_logits, pred_points, gt_points, gt_labels):
    del gt_labels
    b, n, _ = pred_logits.shape
    t = gt_points.shape[1]
    l0 = pred_logits[..., 0]
    l1 = pred_logits[..., 1]
    px = pred_points[..., 0]
    py = pred_points[..., 1]
    gx = gt_points[..., 0]
    gy = gt_points[..., 1]

    matcher = _make_sc_matcher(b, n, t)
    mask_flat, sp_flat = matcher(
        l0.reshape(-1), l1.reshape(-1), px.reshape(-1), py.reshape(-1),
        gx.reshape(-1), gy.reshape(-1))
    mask = mask_flat.reshape(b, n)
    sp = jnp.zeros((8, 128), jnp.float32).at[:b, :_L].set(
        sp_flat.reshape(b, _L))

    out = pl.pallas_call(
        functools.partial(_tc_loss_kernel, t),
        out_shape=jax.ShapeDtypeStruct((8, 128), jnp.float32),
    )(l0, l1, mask, sp)
    return jnp.stack([out[0, 0], out[1, 0]])

# --- scband reference (transcript-rebuilt; emitter-appended) ---
"""Pipeline reference for scband-set-criterion-crowd-1760936591979 (READ-ONLY COPY).

The authoritative reference and input builder live on the scoring server;
editing this copy changes nothing except your own understanding.
"""

import jax, jax.numpy as jnp
import numpy as np

B, N, T = 8, 16384, 512
NUM_CLASSES = 1
EOS_COEF = 0.5
SET_COST_CLASS = 1.0
SET_COST_POINT = 0.05


def setup_inputs(seed: int = 0) -> dict:
    key = jax.random.key(seed)
    k1, k2, k3 = jax.random.split(key, 3)
    pred_logits = jax.random.normal(k1, (B, N, NUM_CLASSES + 1), dtype=jnp.float32)
    pred_points = jax.random.uniform(k2, (B, N, 2), dtype=jnp.float32) * 512.0
    gt_points = jax.random.uniform(k3, (B, T, 2), dtype=jnp.float32) * 512.0
    gt_labels = jnp.ones((B, T), dtype=jnp.int32)
    return {"pred_logits": pred_logits, "pred_points": pred_points,
            "gt_points": gt_points, "gt_labels": gt_labels}


def _greedy_linear_assignment(cost):
    # deterministic greedy approximation of Hungarian linear_sum_assignment
    # (matching indices are integer constants w.r.t. gradients in the original
    # torch code as well)
    n, t = cost.shape

    def step(c, col_idx):
        r = jnp.argmin(c[:, col_idx])
        c = c.at[r, :].set(jnp.inf)
        return c, r

    _, src = jax.lax.scan(step, cost, jnp.arange(t))
    return src, jnp.arange(t)


def _match(pred_logits, pred_points, gt_points, gt_labels):
    # HungarianMatcher_Crowd cost: -prob[target_class] * w_class + cdist(points) * w_point
    probs = jax.nn.softmax(pred_logits, axis=-1)

    def per_batch(p, pts, gpts, lbl):
        cost_class = -p[:, lbl]                                # [N, T]
        diff = pts[:, None, :] - gpts[None, :, :]              # [N, T, 2]
        cost_point = jnp.sqrt((diff ** 2).sum(-1))             # [N, T]
        C = SET_COST_CLASS * cost_class + SET_COST_POINT * cost_point
        return _greedy_linear_assignment(C)

    src, tgt = jax.vmap(per_batch)(probs, pred_points, gt_points, gt_labels)
    return src, tgt


def reference(pred_logits, pred_points, gt_points, gt_labels):
    src, tgt = _match(pred_logits, pred_points, gt_points, gt_labels)
    # _get_src_permutation_idx
    batch_idx = jnp.repeat(jnp.arange(B), T)
    src_idx = src.reshape(-1)
    tgt_idx = tgt.reshape(-1)

    empty_weight = jnp.ones((NUM_CLASSES + 1,), dtype=jnp.float32).at[0].set(EOS_COEF)

    # loss_labels: weighted cross entropy (torch F.cross_entropy with class weights)
    target_classes_o = gt_labels[batch_idx, tgt_idx]
    target_classes = jnp.zeros((B, N), dtype=jnp.int32).at[batch_idx, src_idx].set(target_classes_o)
    logp = jax.nn.log_softmax(pred_logits, axis=-1)            # [B, N, C+1]
    nll = -jnp.take_along_axis(logp, target_classes[..., None], axis=-1)[..., 0]
    w = empty_weight[target_classes]
    loss_ce = (w * nll).sum() / w.sum()

    # loss_points: sum of squared errors over matched points / num_points
    num_points = max(float(B * T), 1.0)   # world_size == 1
    src_points = pred_points[batch_idx, src_idx]
    target_points = gt_points[batch_idx, tgt_idx]
    loss_points = ((src_points - target_points) ** 2).sum() / num_points

    return jnp.stack([loss_ce, loss_points])

if __name__ == "__main__":
    import jax
    _d = setup_inputs()
    print(jax.jit(kernel)(*tuple(_d.values())))

</pallas_src>

<mosaic_0001>
#map = affine_map<(d0, d1) -> (0)>
module attributes {stable_mosaic.version = 14 : i64} {
  func.func @body(%arg0: i32, %arg1: i32, %arg2: memref<131072xf32, #tpu.memory_space<hbm>>, %arg3: memref<131072xf32, #tpu.memory_space<hbm>>, %arg4: memref<131072xf32, #tpu.memory_space<hbm>>, %arg5: memref<131072xf32, #tpu.memory_space<hbm>>, %arg6: memref<4096xf32, #tpu.memory_space<hbm>>, %arg7: memref<4096xf32, #tpu.memory_space<hbm>>, %arg8: memref<131072xf32, #tpu.memory_space<hbm>>, %arg9: memref<128xf32, #tpu.memory_space<hbm>>, %arg10: memref<16384xf32, #tpu.memory_space<vmem>>, %arg11: memref<16384xf32, #tpu.memory_space<vmem>>, %arg12: memref<16384xf32, #tpu.memory_space<vmem>>, %arg13: memref<16384xf32, #tpu.memory_space<vmem>>, %arg14: memref<16384xf32, #tpu.memory_space<vmem>>, %arg15: memref<512xf32, #tpu.memory_space<vmem>>, %arg16: memref<512xf32, #tpu.memory_space<vmem>>, %arg17: memref<16xf32, #tpu.memory_space<vmem>>) attributes {dimension_semantics = [#tpu.dimension_semantics<core_parallel>, #tpu.dimension_semantics<subcore_parallel>], iteration_bounds = array<i64: 2, 16>, scalar_prefetch = 0 : i64, scratch_operands = 8 : i64, tpu.core_type = #tpu.core_type<sc_vector_subcore>, window_params = [{transform_indices = #map}, {transform_indices = #map}, {transform_indices = #map}, {transform_indices = #map}, {transform_indices = #map}, {transform_indices = #map}, {transform_indices = #map}, {transform_indices = #map}]} {
    %mul3A = arith.constant 2 : i32
    %mul3A_0 = arith.muli %arg1, %mul3A : i32
    %add3A = arith.addi %mul3A_0, %arg0 : i32
    %lt3A = arith.constant 8 : i32
    %lt3A_1 = arith.cmpi slt, %add3A, %lt3A : i32
    %convert_element_type3A = arith.extui %lt3A_1 : i1 to i32
    %cond3A = arith.constant 0 : i32
    %cond3A_2 = arith.cmpi ne, %convert_element_type3A, %cond3A : i32
    scf.if %cond3A_2 {
      %mul3A_3 = arith.constant 16384 : i32
      %mul3A_4 = arith.muli %add3A, %mul3A_3 : i32
      "tpu.region"() ({
        %run_scoped3A = tpu.sem_alloc : memref<!tpu.dma_semaphore, #tpu.memory_space<semaphore_mem>>
        %dma_start3A = tpu.memref_slice %arg2[%mul3A_4] : memref<131072xf32, #tpu.memory_space<hbm>> -> memref<16384xf32, #tpu.memory_space<hbm>>
        %dma_start3A_43 = tpu.memref_slice %arg2[%mul3A_4] : memref<131072xf32, #tpu.memory_space<hbm>> -> memref<16384xf32, #tpu.memory_space<hbm>>
        tpu.enqueue_dma source(%dma_start3A_43 : memref<16384xf32, #tpu.memory_space<hbm>>) target(%arg10 : memref<16384xf32, #tpu.memory_space<vmem>>) target_semaphore(%run_scoped3A : memref<!tpu.dma_semaphore, #tpu.memory_space<semaphore_mem>>)
        %dma_wait3A = tpu.memref_slice %arg2[%mul3A_4] : memref<131072xf32, #tpu.memory_space<hbm>> -> memref<16384xf32, #tpu.memory_space<hbm>>
        %dma_wait3A_44 = tpu.memref_slice %arg2[%mul3A_4] : memref<131072xf32, #tpu.memory_space<hbm>> -> memref<16384xf32, #tpu.memory_space<hbm>>
        tpu.wait_dma2 semaphore(%run_scoped3A : memref<!tpu.dma_semaphore, #tpu.memory_space<semaphore_mem>>) src(%dma_wait3A_44 : memref<16384xf32, #tpu.memory_space<hbm>>) dst(%arg10 : memref<16384xf32, #tpu.memory_space<vmem>>)
        tpu.yield
      }) : () -> ()
      %mul3A_5 = arith.constant 16384 : i32
      %mul3A_6 = arith.muli %add3A, %mul3A_5 : i32
      "tpu.region"() ({
        %run_scoped3A = tpu.sem_alloc : memref<!tpu.dma_semaphore, #tpu.memory_space<semaphore_mem>>
        %dma_start3A = tpu.memref_slice %arg3[%mul3A_6] : memref<131072xf32, #tpu.memory_space<hbm>> -> memref<16384xf32, #tpu.memory_space<hbm>>
        %dma_start3A_43 = tpu.memref_slice %arg3[%mul3A_6] : memref<131072xf32, #tpu.memory_space<hbm>> -> memref<16384xf32, #tpu.memory_space<hbm>>
        tpu.enqueue_dma source(%dma_start3A_43 : memref<16384xf32, #tpu.memory_space<hbm>>) target(%arg11 : memref<16384xf32, #tpu.memory_space<vmem>>) target_semaphore(%run_scoped3A : memref<!tpu.dma_semaphore, #tpu.memory_space<semaphore_mem>>)
        %dma_wait3A = tpu.memref_slice %arg3[%mul3A_6] : memref<131072xf32, #tpu.memory_space<hbm>> -> memref<16384xf32, #tpu.memory_space<hbm>>
        %dma_wait3A_44 = tpu.memref_slice %arg3[%mul3A_6] : memref<131072xf32, #tpu.memory_space<hbm>> -> memref<16384xf32, #tpu.memory_space<hbm>>
        tpu.wait_dma2 semaphore(%run_scoped3A : memref<!tpu.dma_semaphore, #tpu.memory_space<semaphore_mem>>) src(%dma_wait3A_44 : memref<16384xf32, #tpu.memory_space<hbm>>) dst(%arg11 : memref<16384xf32, #tpu.memory_space<vmem>>)
        tpu.yield
      }) : () -> ()
      %mul3A_7 = arith.constant 16384 : i32
      %mul3A_8 = arith.muli %add3A, %mul3A_7 : i32
      "tpu.region"() ({
        %run_scoped3A = tpu.sem_alloc : memref<!tpu.dma_semaphore, #tpu.memory_space<semaphore_mem>>
        %dma_start3A = tpu.memref_slice %arg4[%mul3A_8] : memref<131072xf32, #tpu.memory_space<hbm>> -> memref<16384xf32, #tpu.memory_space<hbm>>
        %dma_start3A_43 = tpu.memref_slice %arg4[%mul3A_8] : memref<131072xf32, #tpu.memory_space<hbm>> -> memref<16384xf32, #tpu.memory_space<hbm>>
        tpu.enqueue_dma source(%dma_start3A_43 : memref<16384xf32, #tpu.memory_space<hbm>>) target(%arg12 : memref<16384xf32, #tpu.memory_space<vmem>>) target_semaphore(%run_scoped3A : memref<!tpu.dma_semaphore, #tpu.memory_space<semaphore_mem>>)
        %dma_wait3A = tpu.memref_slice %arg4[%mul3A_8] : memref<131072xf32, #tpu.memory_space<hbm>> -> memref<16384xf32, #tpu.memory_space<hbm>>
        %dma_wait3A_44 = tpu.memref_slice %arg4[%mul3A_8] : memref<131072xf32, #tpu.memory_space<hbm>> -> memref<16384xf32, #tpu.memory_space<hbm>>
        tpu.wait_dma2 semaphore(%run_scoped3A : memref<!tpu.dma_semaphore, #tpu.memory_space<semaphore_mem>>) src(%dma_wait3A_44 : memref<16384xf32, #tpu.memory_space<hbm>>) dst(%arg12 : memref<16384xf32, #tpu.memory_space<vmem>>)
        tpu.yield
      }) : () -> ()
      %mul3A_9 = arith.constant 16384 : i32
      %mul3A_10 = arith.muli %add3A, %mul3A_9 : i32
      "tpu.region"() ({
        %run_scoped3A = tpu.sem_alloc : memref<!tpu.dma_semaphore, #tpu.memory_space<semaphore_mem>>
        %dma_start3A = tpu.memref_slice %arg5[%mul3A_10] : memref<131072xf32, #tpu.memory_space<hbm>> -> memref<16384xf32, #tpu.memory_space<hbm>>
        %dma_start3A_43 = tpu.memref_slice %arg5[%mul3A_10] : memref<131072xf32, #tpu.memory_space<hbm>> -> memref<16384xf32, #tpu.memory_space<hbm>>
        tpu.enqueue_dma source(%dma_start3A_43 : memref<16384xf32, #tpu.memory_space<hbm>>) target(%arg13 : memref<16384xf32, #tpu.memory_space<vmem>>) target_semaphore(%run_scoped3A : memref<!tpu.dma_semaphore, #tpu.memory_space<semaphore_mem>>)
        %dma_wait3A = tpu.memref_slice %arg5[%mul3A_10] : memref<131072xf32, #tpu.memory_space<hbm>> -> memref<16384xf32, #tpu.memory_space<hbm>>
        %dma_wait3A_44 = tpu.memref_slice %arg5[%mul3A_10] : memref<131072xf32, #tpu.memory_space<hbm>> -> memref<16384xf32, #tpu.memory_space<hbm>>
        tpu.wait_dma2 semaphore(%run_scoped3A : memref<!tpu.dma_semaphore, #tpu.memory_space<semaphore_mem>>) src(%dma_wait3A_44 : memref<16384xf32, #tpu.memory_space<hbm>>) dst(%arg13 : memref<16384xf32, #tpu.memory_space<vmem>>)
        tpu.yield
      }) : () -> ()
      %mul3A_11 = arith.constant 512 : i32
      %mul3A_12 = arith.muli %add3A, %mul3A_11 : i32
      "tpu.region"() ({
        %run_scoped3A = tpu.sem_alloc : memref<!tpu.dma_semaphore, #tpu.memory_space<semaphore_mem>>
        %dma_start3A = tpu.memref_slice %arg6[%mul3A_12] : memref<4096xf32, #tpu.memory_space<hbm>> -> memref<512xf32, #tpu.memory_space<hbm>>
        %dma_start3A_43 = tpu.memref_slice %arg6[%mul3A_12] : memref<4096xf32, #tpu.memory_space<hbm>> -> memref<512xf32, #tpu.memory_space<hbm>>
        tpu.enqueue_dma source(%dma_start3A_43 : memref<512xf32, #tpu.memory_space<hbm>>) target(%arg15 : memref<512xf32, #tpu.memory_space<vmem>>) target_semaphore(%run_scoped3A : memref<!tpu.dma_semaphore, #tpu.memory_space<semaphore_mem>>)
        %dma_wait3A = tpu.memref_slice %arg6[%mul3A_12] : memref<4096xf32, #tpu.memory_space<hbm>> -> memref<512xf32, #tpu.memory_space<hbm>>
        %dma_wait3A_44 = tpu.memref_slice %arg6[%mul3A_12] : memref<4096xf32, #tpu.memory_space<hbm>> -> memref<512xf32, #tpu.memory_space<hbm>>
        tpu.wait_dma2 semaphore(%run_scoped3A : memref<!tpu.dma_semaphore, #tpu.memory_space<semaphore_mem>>) src(%dma_wait3A_44 : memref<512xf32, #tpu.memory_space<hbm>>) dst(%arg15 : memref<512xf32, #tpu.memory_space<vmem>>)
        tpu.yield
      }) : () -> ()
      %mul3A_13 = arith.constant 512 : i32
      %mul3A_14 = arith.muli %add3A, %mul3A_13 : i32
      "tpu.region"() ({
        %run_scoped3A = tpu.sem_alloc : memref<!tpu.dma_semaphore, #tpu.memory_space<semaphore_mem>>
        %dma_start3A = tpu.memref_slice %arg7[%mul3A_14] : memref<4096xf32, #tpu.memory_space<hbm>> -> memref<512xf32, #tpu.memory_space<hbm>>
        %dma_start3A_43 = tpu.memref_slice %arg7[%mul3A_14] : memref<4096xf32, #tpu.memory_space<hbm>> -> memref<512xf32, #tpu.memory_space<hbm>>
        tpu.enqueue_dma source(%dma_start3A_43 : memref<512xf32, #tpu.memory_space<hbm>>) target(%arg16 : memref<512xf32, #tpu.memory_space<vmem>>) target_semaphore(%run_scoped3A : memref<!tpu.dma_semaphore, #tpu.memory_space<semaphore_mem>>)
        %dma_wait3A = tpu.memref_slice %arg7[%mul3A_14] : memref<4096xf32, #tpu.memory_space<hbm>> -> memref<512xf32, #tpu.memory_space<hbm>>
        %dma_wait3A_44 = tpu.memref_slice %arg7[%mul3A_14] : memref<4096xf32, #tpu.memory_space<hbm>> -> memref<512xf32, #tpu.memory_space<hbm>>
        tpu.wait_dma2 semaphore(%run_scoped3A : memref<!tpu.dma_semaphore, #tpu.memory_space<semaphore_mem>>) src(%dma_wait3A_44 : memref<512xf32, #tpu.memory_space<hbm>>) dst(%arg16 : memref<512xf32, #tpu.memory_space<vmem>>)
        tpu.yield
      }) : () -> ()
      %iota3A = tpu.iota {dimensions = array<i32: 0>} : vector<16xi32>
      %eq3A = arith.constant 0 : i32
      %eq3A_15 = vector.broadcast %eq3A : i32 to vector<16xi32>
      %eq3A_16 = arith.cmpi eq, %iota3A, %eq3A_15 : vector<16xi32>
      %broadcast_in_dim3A = arith.constant 0x7F800000 : f32
      %broadcast_in_dim3A_17 = vector.broadcast %broadcast_in_dim3A : f32 to vector<16xf32>
      %scan3A = arith.constant 0 : i32
      %scan3A_18 = arith.constant 0 : i32
      %scan3A_19 = arith.constant 1024 : i32
      %scan3A_20 = arith.addi %scan3A_18, %scan3A_19 : i32
      %scan3A_21 = arith.constant 1 : i32
      scf.for %scan3A_43 = %scan3A_18 to %scan3A_20 step %scan3A_21  : i32 {
        %mul3A_44 = arith.constant 16 : i32
        %mul3A_45 = arith.muli %scan3A_43, %mul3A_44 : i32
        %get3A = arith.index_cast %mul3A_45 : i32 to index
        %get3A_46 = tpu.vector_load %arg10[%get3A] {strides = array<i32>} : memref<16384xf32, #tpu.memory_space<vmem>>, vector<16xf32>,
        %get3A_47 = arith.index_cast %mul3A_45 : i32 to index
        %get3A_48 = tpu.vector_load %arg11[%get3A_47] {strides = array<i32>} : memref<16384xf32, #tpu.memory_space<vmem>>, vector<16xf32>,
        %max3A = arith.maximumf %get3A_46, %get3A_48 : vector<16xf32>
        %sub3A = arith.subf %get3A_46, %max3A : vector<16xf32>
        %exp3A = math.exp %sub3A : vector<16xf32>
        %sub3A_49 = arith.subf %get3A_48, %max3A : vector<16xf32>
        %exp3A_50 = math.exp %sub3A_49 : vector<16xf32>
        %add3A_51 = arith.addf %exp3A, %exp3A_50 : vector<16xf32>
        %div3A = arith.divf %exp3A_50, %add3A_51 : vector<16xf32>
        %neg3A = arith.constant 0.000000e+00 : f32
        %neg3A_52 = vector.broadcast %neg3A : f32 to vector<16xf32>
        %neg3A_53 = arith.subf %neg3A_52, %div3A : vector<16xf32>
        %mul3A_54 = arith.constant 1.000000e+00 : f32
        %mul3A_55 = vector.broadcast %mul3A_54 : f32 to vector<16xf32>
        %mul3A_56 = arith.mulf %mul3A_55, %neg3A_53 : vector<16xf32>
        %swap3A_57 = arith.index_cast %mul3A_45 : i32 to index
        %swap3A_58 = tpu.vector_load %arg14[%swap3A_57] {strides = array<i32>} : memref<16384xf32, #tpu.memory_space<vmem>>, vector<16xf32>,
        tpu.vector_store %arg14[%swap3A_57], %mul3A_56 {strides = array<i32>} : memref<16384xf32, #tpu.memory_space<vmem>>, vector<16xf32>,
      }
      %scan3A_22 = arith.constant 1024 : i32
      %scan3A_23 = arith.constant 0.000000e+00 : f32
      %scan3A_24 = arith.constant 0 : i32
      %scan3A_25 = arith.constant 512 : i32
      %scan3A_26 = arith.addi %scan3A_24, %scan3A_25 : i32
      %scan3A_27 = arith.constant 1 : i32
      %scan3A_28 = scf.for %scan3A_43 = %scan3A_24 to %scan3A_26 step %scan3A_27 iter_args(%scan3A_44 = %scan3A_23) -> (f32)  : i32 {
        %broadcast_in_dim3A_45 = vector.broadcast %scan3A_43 : i32 to vector<16xi32>
        %gather3A = tpu.vector_load_idx %arg15[%broadcast_in_dim3A_45] : memref<512xf32, #tpu.memory_space<vmem>>[vector<16xi32>], vector<16xf32>,
        %gather3A_46 = tpu.vector_load_idx %arg16[%broadcast_in_dim3A_45] : memref<512xf32, #tpu.memory_space<vmem>>[vector<16xi32>], vector<16xf32>,
        %broadcast_in_dim3A_47 = arith.constant 16384 : i32
        %broadcast_in_dim3A_48 = vector.broadcast %broadcast_in_dim3A_47 : i32 to vector<16xi32>
        %scan3A_49 = arith.constant 0 : i32
        %scan3A_50 = arith.constant 1024 : i32
        %scan3A_51 = arith.addi %scan3A_49, %scan3A_50 : i32
        %scan3A_52 = arith.constant 1 : i32
        %scan3A_53:2 = scf.for %scan3A_85 = %scan3A_49 to %scan3A_51 step %scan3A_52 iter_args(%scan3A_86 = %broadcast_in_dim3A_17, %scan3A_87 = %broadcast_in_dim3A_48) -> (vector<16xf32>, vector<16xi32>)  : i32 {
          %mul3A_88 = arith.constant 16 : i32
          %mul3A_89 = arith.muli %scan3A_85, %mul3A_88 : i32
          %get3A = arith.index_cast %mul3A_89 : i32 to index
          %get3A_90 = tpu.vector_load %arg12[%get3A] {strides = array<i32>} : memref<16384xf32, #tpu.memory_space<vmem>>, vector<16xf32>,
          %sub3A_91 = arith.subf %get3A_90, %gather3A : vector<16xf32>
          %get3A_92 = arith.index_cast %mul3A_89 : i32 to index
          %get3A_93 = tpu.vector_load %arg13[%get3A_92] {strides = array<i32>} : memref<16384xf32, #tpu.memory_space<vmem>>, vector<16xf32>,
          %sub3A_94 = arith.subf %get3A_93, %gather3A_46 : vector<16xf32>
          %mul3A_95 = arith.mulf %sub3A_91, %sub3A_91 : vector<16xf32>
          %mul3A_96 = arith.mulf %sub3A_94, %sub3A_94 : vector<16xf32>
          %add3A_97 = arith.addf %mul3A_95, %mul3A_96 : vector<16xf32>
          %get3A_98 = arith.index_cast %mul3A_89 : i32 to index
          %get3A_99 = tpu.vector_load %arg14[%get3A_98] {strides = array<i32>} : memref<16384xf32, #tpu.memory_space<vmem>>, vector<16xf32>,
          %bitcast_convert_type3A = tpu.bitcast %add3A_97 : vector<16xf32> -> vector<16xi32>
          %shift_right_logical3A = arith.constant 1 : i32
          %shift_right_logical3A_100 = vector.broadcast %shift_right_logical3A : i32 to vector<16xi32>
          %shift_right_logical3A_101 = arith.shrui %bitcast_convert_type3A, %shift_right_logical3A_100 : vector<16xi32>
          %sub3A_102 = arith.constant 1597463007 : i32
          %sub3A_103 = vector.broadcast %sub3A_102 : i32 to vector<16xi32>
          %sub3A_104 = arith.subi %sub3A_103, %shift_right_logical3A_101 : vector<16xi32>
          %bitcast_convert_type3A_105 = tpu.bitcast %sub3A_104 : vector<16xi32> -> vector<16xf32>
          %mul3A_106 = arith.constant 5.000000e-01 : f32
          %mul3A_107 = vector.broadcast %mul3A_106 : f32 to vector<16xf32>
          %mul3A_108 = arith.mulf %mul3A_107, %add3A_97 : vector<16xf32>
          %mul3A_109 = arith.mulf %mul3A_108, %bitcast_convert_type3A_105 : vector<16xf32>
          %mul3A_110 = arith.mulf %mul3A_109, %bitcast_convert_type3A_105 : vector<16xf32>
          %sub3A_111 = arith.constant 1.500000e+00 : f32
          %sub3A_112 = vector.broadcast %sub3A_111 : f32 to vector<16xf32>
          %sub3A_113 = arith.subf %sub3A_112, %mul3A_110 : vector<16xf32>
          %mul3A_114 = arith.mulf %bitcast_convert_type3A_105, %sub3A_113 : vector<16xf32>
          %mul3A_115 = arith.mulf %mul3A_108, %mul3A_114 : vector<16xf32>
          %mul3A_116 = arith.mulf %mul3A_115, %mul3A_114 : vector<16xf32>
          %sub3A_117 = arith.constant 1.500000e+00 : f32
          %sub3A_118 = vector.broadcast %sub3A_117 : f32 to vector<16xf32>
          %sub3A_119 = arith.subf %sub3A_118, %mul3A_116 : vector<16xf32>
          %mul3A_120 = arith.mulf %mul3A_114, %sub3A_119 : vector<16xf32>
          %mul3A_121 = arith.mulf %mul3A_108, %mul3A_120 : vector<16xf32>
          %mul3A_122 = arith.mulf %mul3A_121, %mul3A_120 : vector<16xf32>
          %sub3A_123 = arith.constant 1.500000e+00 : f32
          %sub3A_124 = vector.broadcast %sub3A_123 : f32 to vector<16xf32>
          %sub3A_125 = arith.subf %sub3A_124, %mul3A_122 : vector<16xf32>
          %mul3A_126 = arith.mulf %mul3A_120, %sub3A_125 : vector<16xf32>
          %mul3A_127 = arith.mulf %add3A_97, %mul3A_126 : vector<16xf32>
          %mul3A_128 = arith.constant 5.000000e-02 : f32
          %mul3A_129 = vector.broadcast %mul3A_128 : f32 to vector<16xf32>
          %mul3A_130 = arith.mulf %mul3A_129, %mul3A_127 : vector<16xf32>
          %add3A_131 = arith.addf %get3A_99, %mul3A_130 : vector<16xf32>
          %lt3A_132 = arith.cmpf olt, %add3A_131, %scan3A_86 : vector<16xf32>
          %mul3A_133 = arith.constant 16 : i32
          %mul3A_134 = arith.muli %scan3A_85, %mul3A_133 : i32
          %broadcast_in_dim3A_135 = vector.broadcast %mul3A_134 : i32 to vector<16xi32>
          %add3A_136 = arith.addi %broadcast_in_dim3A_135, %iota3A : vector<16xi32>
          %select_n3A_137 = arith.select %lt3A_132, %add3A_131, %scan3A_86 : vector<16xi1>, vector<16xf32>
          %select_n3A_138 = arith.select %lt3A_132, %add3A_136, %scan3A_87 : vector<16xi1>, vector<16xi32>
          scf.yield %select_n3A_137, %select_n3A_138 : vector<16xf32>, vector<16xi32>
        }
        %scan3A_54 = arith.constant 1024 : i32
        %reduce_min3A = arith.constant true
        %reduce_min3A_55 = vector.broadcast %reduce_min3A : i1 to vector<16xi1>
        %reduce_min3A_56 = tpu.scan <min>, %scan3A_53#0 masked %reduce_min3A_55 : vector<16xf32>, vector<16xi1> -> vector<16xf32>
        %reduce_min3A_57 = vector.extract %reduce_min3A_56[15] : f32 from vector<16xf32>
        %eq3A_58 = vector.broadcast %reduce_min3A_57 : f32 to vector<16xf32>
        %eq3A_59 = arith.cmpf oeq, %scan3A_53#0, %eq3A_58 : vector<16xf32>
        %jit3A_60 = arith.constant 32768 : i32
        %broadcast_in_dim3A_61 = vector.broadcast %jit3A_60 : i32 to vector<16xi32>
        %select_n3A_62 = arith.select %eq3A_59, %scan3A_53#1, %broadcast_in_dim3A_61 : vector<16xi1>, vector<16xi32>
        %reduce_min3A_63 = arith.constant true
        %reduce_min3A_64 = vector.broadcast %reduce_min3A_63 : i1 to vector<16xi1>
        %reduce_min3A_65 = arith.constant -2147483648 : i32
        %reduce_min3A_66 = vector.broadcast %reduce_min3A_65 : i32 to vector<16xi32>
        %reduce_min3A_67 = arith.xori %select_n3A_62, %reduce_min3A_66 : vector<16xi32>
        %reduce_min3A_68 = tpu.scan <min>, %reduce_min3A_67 masked %reduce_min3A_64 : vector<16xi32>, vector<16xi1> -> vector<16xi32>
        %reduce_min3A_69 = arith.xori %reduce_min3A_68, %reduce_min3A_66 : vector<16xi32>
        %reduce_min3A_70 = vector.extract %reduce_min3A_69[15] : i32 from vector<16xi32>
        %broadcast_in_dim3A_71 = vector.broadcast %reduce_min3A_70 : i32 to vector<16xi32>
        %gather3A_72 = tpu.vector_load_idx %arg12[%broadcast_in_dim3A_71] : memref<16384xf32, #tpu.memory_space<vmem>>[vector<16xi32>], vector<16xf32>,
        %sub3A = arith.subf %gather3A_72, %gather3A : vector<16xf32>
        %gather3A_73 = tpu.vector_load_idx %arg13[%broadcast_in_dim3A_71] : memref<16384xf32, #tpu.memory_space<vmem>>[vector<16xi32>], vector<16xf32>,
        %sub3A_74 = arith.subf %gather3A_73, %gather3A_46 : vector<16xf32>
        %mul3A_75 = arith.mulf %sub3A, %sub3A : vector<16xf32>
        %mul3A_76 = arith.mulf %sub3A_74, %sub3A_74 : vector<16xf32>
        %add3A_77 = arith.addf %mul3A_75, %mul3A_76 : vector<16xf32>
        tpu.vector_store_idx %arg14[%broadcast_in_dim3A_71], %broadcast_in_dim3A_17 masked %eq3A_16 : memref<16384xf32, #tpu.memory_space<vmem>>[vector<16xi32>], vector<16xf32>, vector<16xi1>
        %jit3A_78 = arith.constant 0.000000e+00 : f32
        %broadcast_in_dim3A_79 = vector.broadcast %jit3A_78 : f32 to vector<16xf32>
        %select_n3A_80 = arith.select %eq3A_16, %add3A_77, %broadcast_in_dim3A_79 : vector<16xi1>, vector<16xf32>
        %reduce_sum3A = arith.constant true
        %reduce_sum3A_81 = vector.broadcast %reduce_sum3A : i1 to vector<16xi1>
        %reduce_sum3A_82 = tpu.scan <sum>, %select_n3A_80 masked %reduce_sum3A_81 : vector<16xf32>, vector<16xi1> -> vector<16xf32>
        %reduce_sum3A_83 = vector.extract %reduce_sum3A_82[15] : f32 from vector<16xf32>
        %add3A_84 = arith.addf %scan3A_44, %reduce_sum3A_83 : f32
        scf.yield %add3A_84 : f32
      }
      %scan3A_29 = arith.constant 512 : i32
      %jit3A = arith.constant 0.000000e+00 : f32
      %broadcast_in_dim3A_30 = vector.broadcast %scan3A_28 : f32 to vector<16xf32>
      %broadcast_in_dim3A_31 = vector.broadcast %jit3A : f32 to vector<16xf32>
      %select_n3A = arith.select %eq3A_16, %broadcast_in_dim3A_30, %broadcast_in_dim3A_31 : vector<16xi1>, vector<16xf32>
      %swap3A = arith.constant 0 : index
      %swap3A_32 = tpu.vector_load %arg17[%swap3A] {strides = array<i32>} : memref<16xf32, #tpu.memory_space<vmem>>, vector<16xf32>,
      tpu.vector_store %arg17[%swap3A], %select_n3A {strides = array<i32>} : memref<16xf32, #tpu.memory_space<vmem>>, vector<16xf32>,
      %scan3A_33 = arith.constant 0 : i32
      %scan3A_34 = arith.constant 0 : i32
      %scan3A_35 = arith.constant 1024 : i32
      %scan3A_36 = arith.addi %scan3A_34, %scan3A_35 : i32
      %scan3A_37 = arith.constant 1 : i32
      scf.for %scan3A_43 = %scan3A_34 to %scan3A_36 step %scan3A_37  : i32 {
        %mul3A_44 = arith.constant 16 : i32
        %mul3A_45 = arith.muli %scan3A_43, %mul3A_44 : i32
        %get3A = arith.index_cast %mul3A_45 : i32 to index
        %get3A_46 = tpu.vector_load %arg14[%get3A] {strides = array<i32>} : memref<16384xf32, #tpu.memory_space<vmem>>, vector<16xf32>,
        %eq3A_47 = arith.constant 0x7F800000 : f32
        %eq3A_48 = vector.broadcast %eq3A_47 : f32 to vector<16xf32>
        %eq3A_49 = arith.cmpf oeq, %get3A_46, %eq3A_48 : vector<16xf32>
        %jit3A_50 = arith.constant 1.000000e+00 : f32
        %jit3A_51 = arith.constant 0.000000e+00 : f32
        %broadcast_in_dim3A_52 = vector.broadcast %jit3A_50 : f32 to vector<16xf32>
        %broadcast_in_dim3A_53 = vector.broadcast %jit3A_51 : f32 to vector<16xf32>
        %select_n3A_54 = arith.select %eq3A_49, %broadcast_in_dim3A_52, %broadcast_in_dim3A_53 : vector<16xi1>, vector<16xf32>
        %swap3A_55 = arith.index_cast %mul3A_45 : i32 to index
        %swap3A_56 = tpu.vector_load %arg10[%swap3A_55] {strides = array<i32>} : memref<16384xf32, #tpu.memory_space<vmem>>, vector<16xf32>,
        tpu.vector_store %arg10[%swap3A_55], %select_n3A_54 {strides = array<i32>} : memref<16384xf32, #tpu.memory_space<vmem>>, vector<16xf32>,
      }
      %scan3A_38 = arith.constant 1024 : i32
      %mul3A_39 = arith.constant 16384 : i32
      %mul3A_40 = arith.muli %add3A, %mul3A_39 : i32
      "tpu.region"() ({
        %run_scoped3A = tpu.sem_alloc : memref<!tpu.dma_semaphore, #tpu.memory_space<semaphore_mem>>
        %dma_start3A = tpu.memref_slice %arg8[%mul3A_40] : memref<131072xf32, #tpu.memory_space<hbm>> -> memref<16384xf32, #tpu.memory_space<hbm>>
        %dma_start3A_43 = tpu.memref_slice %arg8[%mul3A_40] : memref<131072xf32, #tpu.memory_space<hbm>> -> memref<16384xf32, #tpu.memory_space<hbm>>
        tpu.enqueue_dma source(%arg10 : memref<16384xf32, #tpu.memory_space<vmem>>) target(%dma_start3A_43 : memref<16384xf32, #tpu.memory_space<hbm>>) target_semaphore(%run_scoped3A : memref<!tpu.dma_semaphore, #tpu.memory_space<semaphore_mem>>)
        %dma_wait3A = tpu.memref_slice %arg8[%mul3A_40] : memref<131072xf32, #tpu.memory_space<hbm>> -> memref<16384xf32, #tpu.memory_space<hbm>>
        %dma_wait3A_44 = tpu.memref_slice %arg8[%mul3A_40] : memref<131072xf32, #tpu.memory_space<hbm>> -> memref<16384xf32, #tpu.memory_space<hbm>>
        tpu.wait_dma2 semaphore(%run_scoped3A : memref<!tpu.dma_semaphore, #tpu.memory_space<semaphore_mem>>) src(%arg10 : memref<16384xf32, #tpu.memory_space<vmem>>) dst(%dma_wait3A_44 : memref<16384xf32, #tpu.memory_space<hbm>>)
        tpu.yield
      }) : () -> ()
      %mul3A_41 = arith.constant 16 : i32
      %mul3A_42 = arith.muli %add3A, %mul3A_41 : i32
      "tpu.region"() ({
        %run_scoped3A = tpu.sem_alloc : memref<!tpu.dma_semaphore, #tpu.memory_space<semaphore_mem>>
        %dma_start3A = tpu.memref_slice %arg9[%mul3A_42] : memref<128xf32, #tpu.memory_space<hbm>> -> memref<16xf32, #tpu.memory_space<hbm>>
        %dma_start3A_43 = tpu.memref_slice %arg9[%mul3A_42] : memref<128xf32, #tpu.memory_space<hbm>> -> memref<16xf32, #tpu.memory_space<hbm>>
        tpu.enqueue_dma source(%arg17 : memref<16xf32, #tpu.memory_space<vmem>>) target(%dma_start3A_43 : memref<16xf32, #tpu.memory_space<hbm>>) target_semaphore(%run_scoped3A : memref<!tpu.dma_semaphore, #tpu.memory_space<semaphore_mem>>)
        %dma_wait3A = tpu.memref_slice %arg9[%mul3A_42] : memref<128xf32, #tpu.memory_space<hbm>> -> memref<16xf32, #tpu.memory_space<hbm>>
        %dma_wait3A_44 = tpu.memref_slice %arg9[%mul3A_42] : memref<128xf32, #tpu.memory_space<hbm>> -> memref<16xf32, #tpu.memory_space<hbm>>
        tpu.wait_dma2 semaphore(%run_scoped3A : memref<!tpu.dma_semaphore, #tpu.memory_space<semaphore_mem>>) src(%arg17 : memref<16xf32, #tpu.memory_space<vmem>>) dst(%dma_wait3A_44 : memref<16xf32, #tpu.memory_space<hbm>>)
        tpu.yield
      }) : () -> ()
    } else {
    }
    return
  }
}

module attributes {stable_mosaic.version = 14 : i64} {
  func.func @_tc_loss_kernel(%arg0: memref<8x16384xf32, #tpu.memory_space<vmem>>, %arg1: memref<8x16384xf32, #tpu.memory_space<vmem>>, %arg2: memref<8x16384xf32, #tpu.memory_space<vmem>>, %arg3: memref<8x128xf32, #tpu.memory_space<vmem>>, %arg4: memref<8x128xf32, #tpu.memory_space<vmem>>) attributes {dimension_semantics = [], scalar_prefetch = 0 : i64, scratch_operands = 0 : i64, tpu.core_type = #tpu.core_type<tc>} {
    %get3A = arith.constant 0 : index
    %get3A_0 = arith.constant 0 : index
    %get3A_1 = vector.load %arg0[%get3A, %get3A_0] : memref<8x16384xf32, #tpu.memory_space<vmem>>, vector<8x16384xf32>
    %get3A_2 = arith.constant 0 : index
    %get3A_3 = arith.constant 0 : index
    %get3A_4 = vector.load %arg1[%get3A_2, %get3A_3] : memref<8x16384xf32, #tpu.memory_space<vmem>>, vector<8x16384xf32>
    %max3A = arith.maximumf %get3A_1, %get3A_4 : vector<8x16384xf32>
    %sub3A = arith.subf %get3A_1, %max3A : vector<8x16384xf32>
    %exp3A = math.exp %sub3A : vector<8x16384xf32>
    %sub3A_5 = arith.subf %get3A_4, %max3A : vector<8x16384xf32>
    %exp3A_6 = math.exp %sub3A_5 : vector<8x16384xf32>
    %add3A = arith.addf %exp3A, %exp3A_6 : vector<8x16384xf32>
    %log3A = math.log %add3A : vector<8x16384xf32>
    %sub3A_7 = arith.subf %get3A_1, %max3A : vector<8x16384xf32>
    %sub3A_8 = arith.subf %sub3A_7, %log3A : vector<8x16384xf32>
    %neg3A = arith.constant 0.000000e+00 : f32
    %neg3A_9 = vector.broadcast %neg3A : f32 to vector<8x16384xf32>
    %neg3A_10 = arith.subf %neg3A_9, %sub3A_8 : vector<8x16384xf32>
    %sub3A_11 = arith.subf %get3A_4, %max3A : vector<8x16384xf32>
    %sub3A_12 = arith.subf %sub3A_11, %log3A : vector<8x16384xf32>
    %neg3A_13 = arith.constant 0.000000e+00 : f32
    %neg3A_14 = vector.broadcast %neg3A_13 : f32 to vector<8x16384xf32>
    %neg3A_15 = arith.subf %neg3A_14, %sub3A_12 : vector<8x16384xf32>
    %get3A_16 = arith.constant 0 : index
    %get3A_17 = arith.constant 0 : index
    %get3A_18 = vector.load %arg2[%get3A_16, %get3A_17] : memref<8x16384xf32, #tpu.memory_space<vmem>>, vector<8x16384xf32>
    %gt3A = arith.constant 5.000000e-01 : f32
    %gt3A_19 = vector.broadcast %gt3A : f32 to vector<8x16384xf32>
    %gt3A_20 = arith.cmpf ogt, %get3A_18, %gt3A_19 : vector<8x16384xf32>
    %jit3A = arith.constant 0.000000e+00 : f32
    %broadcast_in_dim3A = vector.broadcast %jit3A : f32 to vector<8x16384xf32>
    %select_n3A = arith.select %gt3A_20, %neg3A_15, %broadcast_in_dim3A : vector<8x16384xi1>, vector<8x16384xf32>
    %reduce_sum3A = vector.shape_cast %select_n3A : vector<8x16384xf32> to vector<1x8x16384xf32>
    %reduce_sum3A_21 = arith.constant dense<0.000000e+00> : vector<1xf32>
    %reduce_sum3A_22 = vector.multi_reduction <add>, %reduce_sum3A, %reduce_sum3A_21 [1, 2] : vector<1x8x16384xf32> to vector<1xf32>
    %reduce_sum3A_23 = vector.shape_cast %reduce_sum3A_22 : vector<1xf32> to vector<1x1x1xf32>
    %reduce_sum3A_24 = vector.extract %reduce_sum3A_23[0, 0, 0] : f32 from vector<1x1x1xf32>
    %jit3A_25 = arith.constant 0.000000e+00 : f32
    %broadcast_in_dim3A_26 = vector.broadcast %jit3A_25 : f32 to vector<8x16384xf32>
    %select_n3A_27 = arith.select %gt3A_20, %broadcast_in_dim3A_26, %neg3A_10 : vector<8x16384xi1>, vector<8x16384xf32>
    %reduce_sum3A_28 = vector.shape_cast %select_n3A_27 : vector<8x16384xf32> to vector<1x8x16384xf32>
    %reduce_sum3A_29 = arith.constant dense<0.000000e+00> : vector<1xf32>
    %reduce_sum3A_30 = vector.multi_reduction <add>, %reduce_sum3A_28, %reduce_sum3A_29 [1, 2] : vector<1x8x16384xf32> to vector<1xf32>
    %reduce_sum3A_31 = vector.shape_cast %reduce_sum3A_30 : vector<1xf32> to vector<1x1x1xf32>
    %reduce_sum3A_32 = vector.extract %reduce_sum3A_31[0, 0, 0] : f32 from vector<1x1x1xf32>
    %get3A_33 = arith.constant 0 : index
    %get3A_34 = arith.constant 0 : index
    %get3A_35 = vector.load %arg3[%get3A_33, %get3A_34] : memref<8x128xf32, #tpu.memory_space<vmem>>, vector<8x128xf32>
    %reduce_sum3A_36 = vector.shape_cast %get3A_35 : vector<8x128xf32> to vector<1x8x128xf32>
    %reduce_sum3A_37 = arith.constant dense<0.000000e+00> : vector<1xf32>
    %reduce_sum3A_38 = vector.multi_reduction <add>, %reduce_sum3A_36, %reduce_sum3A_37 [1, 2] : vector<1x8x128xf32> to vector<1xf32>
    %reduce_sum3A_39 = vector.shape_cast %reduce_sum3A_38 : vector<1xf32> to vector<1x1x1xf32>
    %reduce_sum3A_40 = vector.extract %reduce_sum3A_39[0, 0, 0] : f32 from vector<1x1x1xf32>
    %mul3A = arith.constant 5.000000e-01 : f32
    %mul3A_41 = arith.mulf %mul3A, %reduce_sum3A_32 : f32
    %add3A_42 = arith.addf %reduce_sum3A_24, %mul3A_41 : f32
    %div3A = arith.constant 6.758400e+04 : f32
    %div3A_43 = arith.divf %add3A_42, %div3A : f32
    %div3A_44 = arith.constant 4.096000e+03 : f32
    %div3A_45 = arith.divf %reduce_sum3A_40, %div3A_44 : f32
    %iota3A = tpu.iota {dimensions = array<i32: 0>} : vector<8x128xi32>
    %eq3A = arith.constant 0 : i32
    %eq3A_46 = vector.broadcast %eq3A : i32 to vector<8x128xi32>
    %eq3A_47 = arith.cmpi eq, %iota3A, %eq3A_46 : vector<8x128xi32>
    %broadcast_in_dim3A_48 = vector.broadcast %div3A_43 : f32 to vector<8x128xf32>
    %broadcast_in_dim3A_49 = vector.broadcast %div3A_45 : f32 to vector<8x128xf32>
    %select_n3A_50 = arith.select %eq3A_47, %broadcast_in_dim3A_48, %broadcast_in_dim3A_49 : vector<8x128xi1>, vector<8x128xf32>
    %swap3A = arith.constant 0 : index
    %swap3A_51 = arith.constant 0 : index
    %swap3A_52 = vector.load %arg4[%swap3A, %swap3A_51] : memref<8x128xf32, #tpu.memory_space<vmem>>, vector<8x128xf32>
    tpu.vector_store %arg4[%swap3A, %swap3A_51], %select_n3A_50 {strides = array<i32>} : memref<8x128xf32, #tpu.memory_space<vmem>>, vector<8x128xf32>,
    return
  }
}

</mosaic_0001>

<sc_bundles>
// kernel: kernel.4.cloned.1.call-start
scs
__scs_entry_jumppad:
0x0: {  	(pc) =	sbr.rel $0x88, $3  }
0x1: {  	(tag) =	ssettag $0x0;
	lr =	simm.s32 $0x1  }
0x2: {  	[smem:$0x3F9E] =	sst lr;
	_ =	strace $0xD0000000  }
0x3: {  	_ = 	snop  }
0x4: {  	_ = 	snop  }
0x5: {  	_ = 	snop  }
0x6: {  	_ = 	snop  }
0x7: {  	_ = 	snop  }
__scs_overlays_trampoline_lowered:
0x8: {  	[smem:$0x3FAD] =	sst s0  }
0x9: {  	[smem:$0x3FAE] =	sst s1  }
0xa: {  	[smem:$0x3FAF] =	sst s2  }
0xb: {  	[smem:$0x3FB0] =	sst s3  }
0xc: {  	[smem:$0x3FB1] =	sst s4  }
0xd: {  	[smem:$0x3FB2] =	sst s5  }
0xe: {  	[smem:$0x3FB3] =	sst s6  }
0xf: {  	[smem:$0x3FB4] =	sst s7  }
0x10: {  	[smem:$0x3FB5] =	sst s8  }
0x11: {  	[smem:$0x3FB6] =	sst s9;
	s0 =	simm.s32 @!p0 $0x0  }
0x12: {  	s1 =	sld [smem:$0x3F9C];
	s0 =	simm.s32 @p0 $0x1  }
0x13: {  	[smem:$0x3FB7] =	sst s0;
	s0 =	simm.s32 @!p1 $0x0  }
0x14: {  	s2 =	sld [smem:$0x3F9B];
	s0 =	simm.s32 @p1 $0x1  }
0x15: {  	[smem:$0x3FB8] =	sst s0;
	s0 =	simm.s32 @!p2 $0x0  }
0x16: {  	s3 =	sld [smem:$0x3FDB];
	s0 =	simm.s32 @p2 $0x1  }
0x17: {  	s4 =	simm.s32 $0x1BF5;
	[smem:$0x3FBA] =	sst s0  }
0x18: {  	s0 =	sld [smem:$0x3F9D];
	_ =	swait.ge [sflag:s4], $0x0  }
0x19: {  	s7 =	sld [smem:$0x3F9E]  }
0x1a: {  	s8 =	sadd.s32 $0xFFFFE003, lr  }
0x1b: {  	s9 =	sadd.s32 $0xFFFFFEF7, lr;
	s5 =	simm.s32 $0xFFFFFFFF;
	p2 =	slt.u32 s8, $0xFFFFF086  }
0x1c: {  	p1 =	slt.u32 s9, $0xF7A;
	s5 =	simm.s32 @!p2 $0x0  }
0x1d: {  	s5 =	simm.s32 @p1 $0x1;
	p0 =	seq.s32 s7, s2  }
0x1e: {  	s7 =	smul.u32 @!p0 $0xF7A, s2;
	p2 =	seq.s32 @!p0 s5, $0x0  }
0x1f: {  	s9 =	smul.u32 $0xF7A, s1;
	s8 =	simm.s32 @!p0 $0x1BF5;
	p2 =	por !p2, p0  }
0x20: {  	[sflag:s8] =	ssyncset.s32 @!p0 $0xFFFFF086;
	s6 =	sadd.s32 @!p0 s3, s7;
	s7 =	simm.s32 @!p0 $0x108  }
0x21: {  	s3 =	sadd.s32 s3, s9;
	s6 =	sadd.s32 @!p0 $0x88, s6;
	s7 =	simm.s32 @p2 $0x1082  }
0x22: {  	[simem:s7], [sflag:s8] =	dma.local @!p0 [hbm:s6], $0xF7A  }
0x23: {  	s9 =	sor.u32 $0xD0000000, s2;
	s6 =	simm.s32 $0x108;
	_ =	swait.ge @!p0 [sflag:s8], $0x0  }
0x24: {  	s3 =	sadd.s32 $0x88, s3;
	s6 =	simm.s32 @!p1 $0x1082;
	[sflag:s4] =	ssyncset.s32 $0xFFFFF086  }
0x25: {  	[simem:s6], [sflag:s4] =	dma.local [hbm:s3], $0xF7A  }
0x26: {  	[smem:$0x3F9E] =	sst s1;
	(tag) =	ssettag s2;
	_ =	strace s9  }
0x27: {  	s1 =	sld [smem:$0x3FAE]  }
0x28: {  	s2 =	sld [smem:$0x3FAF]  }
0x29: {  	s4 =	sld [smem:$0x3FB1]  }
0x2a: {  	p0 =	seq.s32 s5, $0x0;
	s5 =	sld [smem:$0x3FB2]  }
0x2b: {  	s6 =	sld [smem:$0x3FB3]  }
0x2c: {  	s7 =	sld [smem:$0x3FB4]  }
0x2d: {  	s3 =	simm.s32 $0x108;
	s8 =	sld [smem:$0x3FB5]  }
0x2e: {  	s3 =	simm.s32 @!p0 $0x1082;
	s9 =	sld [smem:$0x3FB6]  }
0x2f: {  	lr =	sadd.s32 s0, s3;
	s0 =	sld [smem:$0x3FAD]  }
0x30: {  	s3 =	sld [smem:$0x3FB0]  }
0x31: {  	[smem:$0x3FB9] =	sst s10  }
0x32: {  	s10 =	sld [smem:$0x3FB7];
	_ =	sdelay $0x3  }
0x33: {  	p0 =	seq.s32 s10, $0x1;
	s10 =	sld [smem:$0x3FB9];
	_ =	sdelay $0x3  }
0x34: {  	[smem:$0x3FB9] =	sst s10  }
0x35: {  	s10 =	sld [smem:$0x3FB8];
	_ =	sdelay $0x3  }
0x36: {  	p1 =	seq.s32 s10, $0x1;
	s10 =	sld [smem:$0x3FB9];
	_ =	sdelay $0x3  }
0x37: {  	[smem:$0x3FB9] =	sst s10  }
0x38: {  	s10 =	sld [smem:$0x3FBA]  }
0x39: {  	_ = 	snop;
	(pc) =	sbr.ind lr, $3  }
0x3a: {  	_ = 	snop  }
0x3b: {  	_ = 	snop  }
0x3c: {  	p2 =	seq.s32 s10, $0x1;
	s10 =	sld [smem:$0x3FB9]  }
0x3d: {  	_ =	shalt  }
0x3e: {  	_ =	shalt  }
0x3f: {  	_ =	shalt  }
0x40: {  	_ =	shalt  }
0x41: {  	_ =	shalt  }
0x42: {  	_ =	shalt  }
0x43: {  	_ =	shalt  }
0x44: {  	_ =	shalt  }
0x45: {  	_ =	shalt  }
0x46: {  	_ =	shalt  }
0x47: {  	_ =	shalt  }
0x48: {  	_ =	shalt  }
0x49: {  	_ =	shalt  }
0x4a: {  	_ =	shalt  }
0x4b: {  	_ =	shalt  }
0x4c: {  	_ =	shalt  }
0x4d: {  	_ =	shalt  }
0x4e: {  	_ =	shalt  }
0x4f: {  	_ =	shalt  }
0x50: {  	_ =	shalt  }
0x51: {  	_ =	shalt  }
0x52: {  	_ =	shalt  }
0x53: {  	_ =	shalt  }
0x54: {  	_ =	shalt  }
0x55: {  	_ =	shalt  }
0x56: {  	_ =	shalt  }
0x57: {  	_ =	shalt  }
0x58: {  	_ =	shalt  }
0x59: {  	_ =	shalt  }
0x5a: {  	_ =	shalt  }
0x5b: {  	_ =	shalt  }
0x5c: {  	_ =	shalt  }
0x5d: {  	_ =	shalt  }
0x5e: {  	_ =	shalt  }
0x5f: {  	_ =	shalt  }
0x60: {  	_ =	shalt  }
0x61: {  	_ =	shalt  }
0x62: {  	_ =	shalt  }
0x63: {  	_ =	shalt  }
0x64: {  	_ =	shalt  }
0x65: {  	_ =	shalt  }
0x66: {  	_ =	shalt  }
0x67: {  	_ =	shalt  }
0x68: {  	_ =	shalt  }
0x69: {  	_ =	shalt  }
0x6a: {  	_ =	shalt  }
0x6b: {  	_ =	shalt  }
0x6c: {  	_ =	shalt  }
0x6d: {  	_ =	shalt  }
0x6e: {  	_ =	shalt  }
0x6f: {  	_ =	shalt  }
0x70: {  	_ =	shalt  }
0x71: {  	_ =	shalt  }
0x72: {  	_ =	shalt  }
0x73: {  	_ =	shalt  }
0x74: {  	_ =	shalt  }
0x75: {  	_ =	shalt  }
0x76: {  	_ =	shalt  }
0x77: {  	_ =	shalt  }
0x78: {  	_ =	shalt  }
0x79: {  	_ =	shalt  }
0x7a: {  	_ =	shalt  }
0x7b: {  	_ =	shalt  }
0x7c: {  	_ =	shalt  }
0x7d: {  	_ =	shalt  }
0x7e: {  	_ =	shalt  }
0x7f: {  	_ =	shalt  }
0x80: {  	_ =	shalt  }
0x81: {  	_ =	shalt  }
0x82: {  	_ =	shalt  }
0x83: {  	_ =	shalt  }
0x84: {  	_ =	shalt  }
0x85: {  	_ =	shalt  }
0x86: {  	_ =	shalt  }
0x87: {  	_ =	shalt  }
.Lfunc_end0:
.L_simem_size_0:
called_computation_lowered:
.L_overlay_start_0:
0x88: {  	s2 =	sld [smem:$0x3FD9]  }
0x89: {  	s3 =	sld [smem:$0x3FFE];
	_ =	sdelay $0x1  }
0x8a: {  	s1 =	srdreg.scid  }
0x8b: {  	s0 =	sand.u32 $0x1, s1  }
0x8c: {  	s16 =	sshll.u32 s0, $0xA;
	s2 =	sadd.s32 s3, s2  }
0x8d: {  	s2 =	sadd.s32 s2, s16  }
0x8e: {  	[smem:$0x3FC5] =	sst s2  }
0x8f: {  	_ = 	snop  }
0x90: {  	(tm) =	ssettm $0x1  }
0x91: {  	s17 =	sld [smem:$0x3FFB];
	_ =	sdelay $0x3  }
0x92: {  	_ =	strace s17  }
0x93: {  	s2 =	sld [smem:$0x3FFC];
	_ =	sdelay $0x3  }
0x94: {  	_ =	strace s2  }
0x95: {  	s2 =	sld [smem:$0x3FFD];
	_ =	sdelay $0x3  }
0x96: {  	_ =	strace s2  }
0x97: {  	_ =	strace $0x8FFFFFFF  }
0x98: {  	s18 =	sld [smem:$0x3FDB];
	_ =	sdelay $0x1  }
0x99: {  	s19 =	simm.s32 $_scs_section_size  }
0x9a: {  	s4 =	simm.s32 $_size__tile_overlayer_lowered;
	s5 =	simm.s32 $_tile_overlayer_lowered  }
0x9b: {  	s22 =	simm.s32 $0x1BFF;
	s21 =	sshll.u32 s5, $0x1;
	s2 =	sadd.s32 s19, s18  }
0x9c: {  	s6 =	simm.s32 $0x0;
	s20 =	sshll.u32 s4, $0x1;
	s4 =	sadd.s32 s21, s2  }
0x9d: {  	[timem:s6], [sflag:s22] =	dma.local [hbm:s4], s20  }
0x9e: {  	_ =	swait.ge [sflag:s22], s20  }
0x9f: {  	s3 =	ssub.s32 $0x0, s20;
	[sflag:s22] =	ssyncset.done $0x0  }
0xa0: {  	[sflag:s22] =	ssyncadd.s32 s3;
	_ =	sdelay $0x1  }
0xa1: {  	s23 =	simm.s32 $0x1B8B  }
0xa2: {  	_ =	swait.ge [sflag:s23], $0x1  }
0xa3: {  	[sflag:s23] =	ssyncset.done $0x0  }
0xa4: {  	s25 =	simm.s32 $0x1B8E;
	s24 =	sld [smem:$0x3FFE];
	[sflag:s23] =	ssyncadd.s32 $0xFFFFFFFF  }
0xa5: {  	s26 =	simm.s32 $execute0_lowered;
	[smem:$0x3FD2] =	sst s25  }
0xa6: {  	s4 =	sshll.u32 s26, $0x1;
	_ =	strace $0x80000046;
	[dreg:$0x1] =	wrdreg $0xFFFFFFFF  }
0xa7: {  	s28 =	simm.s32 $_size_execute0_lowered;
	s2 =	sadd.s32 s2, s4;
	[dreg:$0x0] =	wrdreg $0x0  }
0xa8: {  	s4 =	sshll.u32 s28, $0x1;
	[dreg:$0x2] =	wrdreg s2  }
0xa9: {  	[dreg:$0x3] =	wrdreg s4  }
0xaa: {  	[dreg:$0x4] =	wrdreg $0xC0  }
0xab: {  	_ =	task [dreg:s6], $0x5FFFF  }
0xac: {  	[dreg:$0x1] =	wrdreg $0xFFFFFFFF  }
0xad: {  	[dreg:$0x0] =	wrdreg $0x60  }
0xae: {  	[dreg:$0x2] =	wrdreg s24  }
0xaf: {  	[dreg:$0x3] =	wrdreg $0x9  }
0xb0: {  	_ =	task.clear_ibuf [dreg:s6], $0x4FFFF;
	_ =	strace $0x90000046  }
0xb1: {  	s29 =	simm.s32 $0x9;
	_ =	strace $0x80000048  }
0xb2: {  	_ =	swait.ge [sflag:s29], $0x1  }
0xb3: {  	[sflag:s29] =	ssyncadd.s32 $0xFFFFFFFF  }
0xb4: {  	_ =	strace $0x90000048  }
0xb5: {  	_ =	sfence  }
0xb6: {  	s30 =	sld [smem:$0x0];
	_ =	sdelay $0x2  }
0xb7: {  	s31 =	sshll.u32 s1, $0xD;
	s1 =	sshrl.u32 s1, $0x2  }
0xb8: {  	s3 =	sand.u32 $0x4000, s31;
	s1 =	sadd.s32 s1, s30  }
0xb9: {  	s0 =	sor.u32 s3, s0;
	s1 =	sshll.u32 s1, $0x11  }
0xba: {  	s0 =	sor.u32 s1, s0  }
0xbb: {  	s0 =	sadd.s32 $0x8F2B, s0  }
0xbc: {  	[sflag:s0] =	ssyncadd.remote.s32 $0x1  }
0xbd: {  	_ =	sfence.sel $0xFFFF  }
0xbe: {  	[dreg:$0x0] =	wrdreg $0xFFFFFFFF;
	(pc) =	sbr.abs _section_cstart, $3  }
0xbf: {  	[dreg:$0x1] =	wrdreg $0xFFFFFFFF  }
0xc0: {  	_ =	task.clear_ibuf [dreg:s6], $0x2FFFF;
	_ =	strace $0x9FFFFFFF  }
0xc1: {  	(tm) =	ssettm $0x7FFFFFFF  }
tec
execute0_lowered:
.L_overlay_start_1:
0x0: {  	(tag) =	ssettag $0x1  }
0x1: {  	s1 =	stileid.u32  }
0x2: {  	p0 =	sgt.u32 s1, $0x3  }
.Ltmp0:
0x3: {  	_ = 	snop;
	(pc) =	sbr.rel @p0 .LBB2_11-.Ltmp0, $4  }
0x4: {  	_ = 	snop  }
0x5: {  	s2 =	simm.s32 $0x0  }
0x6: {  	[smem:$0x7FF] =	sst s2  }
0x7: {  	s0 =	rddreg [dreg:$0x0];
	_ =	strace $0x80000047  }
0x8: {  	s3 =	srdreg.scid;
	s30 =	sshll.u32 s1, $0x1  }
0x9: {  	s10 =	sadd.s32 $0x5800, s0;
	s13 =	simm.s32 $0x4000;
	s14 =	simm.s32 $0x8000  }
0xa: {  	s15 =	simm.s32 $0xC000;
	s16 =	simm.s32 $0x14000;
	s17 =	simm.s32 $0x14200  }
0xb: {  	s18 =	simm.s32 $0x10000;
	s19 =	simm.s32 $0x14400;
	s5 =	sand.u32 $0x1, s3  }
0xc: {  	s20 =	simm.s32 $0x0;
	s3 =	sor.u32 s5, s30;
	s9 =	ssub.s32 $0x2, s5  }
0xd: {  	s4 =	sshll.u32 s3, $0x6;
	s11 =	sshll.u32 s3, $0xB;
	s3 =	sshll.u32 s3, $0x1  }
0xe: {  	s12 =	sshrl.u32 s9, $0x1;
	s7 =	sadd.s32 s4, s0;
	s8 =	sadd.s32 s11, s0  }
0xf: {  	s31 =	sadd.s32 s3, s0;
	s12 =	ssub.s32 s9, s12;
	s10 =	sadd.s32 s10, s11  }
0x10: {  	s3 =	sadd.s32 $0x1800, s8;
	s4 =	sadd.s32 $0xD800, s8;
	s5 =	sadd.s32 $0x9800, s8  }
0x11: {  	v0 =	vlaneseq.u32;
	vm0 =	vmmov $0x1;
	s6 =	sadd.s32 $0x11A00, s7;
	s7 =	sadd.s32 $0x11800, s7;
	s8 =	sadd.s32 $0x11C00, s8  }
0x12: {  	v1 =	vimm.f32 $+Inf;
	vm1 =	vcmask $0x300;
	v2 =	vimm.f32 $0.0e+00;
	s9 =	sadd.s32 $0x15C00, s31;
	s11 =	smax.u32 s12, $0x1;
	s12 =	simm.s32 $0x1  }
.LBB2_2:
0x13: {  	s21 =	simm.s32 $0x0  }
0x14: {  	[tilespmem:s21], [sflag:$0x1] =	stream.linear.gather [hbm4b:s10+s21], $0x4000, $0x38;
	[tilespmem:$0x14480] =	vst v63  }
0x15: {  	_ =	swait.ge [sflag:s12], $0x4000  }
0x16: {  	[sflag:s12] =	ssyncset.done $0x0  }
0x17: {  	[sflag:s12] =	ssyncadd.s32 $0xFFFFC000  }
0x18: {  	[tilespmem:s13], [sflag:$0x1] =	stream.linear.gather [hbm4b:s3+s21], $0x4000, $0x38;
	[tilespmem:$0x14480] =	vst v63  }
0x19: {  	_ =	swait.ge [sflag:s12], $0x4000  }
0x1a: {  	[sflag:s12] =	ssyncset.done $0x0  }
0x1b: {  	[sflag:s12] =	ssyncadd.s32 $0xFFFFC000  }
0x1c: {  	[tilespmem:s14], [sflag:$0x1] =	stream.linear.gather [hbm4b:s4+s21], $0x4000, $0x38;
	[tilespmem:$0x14480] =	vst v63  }
0x1d: {  	_ =	swait.ge [sflag:s12], $0x4000  }
0x1e: {  	[sflag:s12] =	ssyncset.done $0x0  }
0x1f: {  	[sflag:s12] =	ssyncadd.s32 $0xFFFFC000  }
0x20: {  	[tilespmem:s15], [sflag:$0x1] =	stream.linear.gather [hbm4b:s5+s21], $0x4000, $0x38;
	[tilespmem:$0x14480] =	vst v63  }
0x21: {  	_ =	swait.ge [sflag:s12], $0x4000  }
0x22: {  	[sflag:s12] =	ssyncset.done $0x0  }
0x23: {  	[sflag:s12] =	ssyncadd.s32 $0xFFFFC000  }
0x24: {  	[tilespmem:s16], [sflag:$0x1] =	stream.linear.gather [hbm4b:s6+s21], $0x200, $0x38;
	[tilespmem:$0x14480] =	vst v63  }
0x25: {  	_ =	swait.ge [sflag:s12], $0x200  }
0x26: {  	[sflag:s12] =	ssyncset.done $0x0  }
0x27: {  	[sflag:s12] =	ssyncadd.s32 $0xFFFFFE00  }
0x28: {  	[tilespmem:s17], [sflag:$0x1] =	stream.linear.gather [hbm4b:s7+s21], $0x200, $0x38;
	[tilespmem:$0x14480] =	vst v63  }
0x29: {  	_ =	swait.ge [sflag:s12], $0x200  }
0x2a: {  	[sflag:s12] =	ssyncset.done $0x0  }
0x2b: {  	s22 =	simm.s32 $0x0;
	[sflag:s12] =	ssyncadd.s32 $0xFFFFFE00  }
0x2c: {  	v3 =	vld [tilespmem:s22+$0x0]  }
0x2d: {  	v4 =	vld [tilespmem:s22+$0x4000];
	_ =	sdelay $0x4  }
0x2e: {  	v5 =	vmax.f32 v3, v4  }
0x2f: {  	s23 =	simm.s32 $0x10;
	v3 =	vsub.f32 v3, v5  }
0x30: {  	v6 =	vld [tilespmem:s23+$0x0];
	v4 =	vsub.f32 v4, v5  }
0x31: {  	v5 =	vld [tilespmem:s23+$0x4000];
	v3 =	vmul.f32 $1.442695020e+00, v3  }
0x32: {  	s24 =	simm.s32 $0x20;
	v4 =	vmul.f32 $1.442695020e+00, v4  }
0x33: {  	(erf) = vpow2.f32 v3;
	v3 =	vld [tilespmem:s24+$0x0]  }
0x34: {  	(erf) = vpow2.f32 v4;
	v4 =	vld [tilespmem:s24+$0x4000];
	_ =	sdelay $0x1  }
0x35: {  	v7 =	vmax.f32 v6, v5  }
0x36: {  	v6 =	vsub.f32 v6, v7  }
0x37: {  	v5 =	vsub.f32 v5, v7  }
0x38: {  	v6 =	vmul.f32 $1.442695020e+00, v6;
	v7 =	vmax.f32 v3, v4  }
0x39: {  	s25 =	simm.s32 $0x30;
	v5 =	vmul.f32 $1.442695020e+00, v5;
	v3 =	vsub.f32 v3, v7  }
0x3a: {  	(erf) = vpow2.f32 v6;
	v6 =	vld [tilespmem:s25+$0x0]  }
0x3b: {  	v4 =	vsub.f32 v4, v7;
	(erf) = vpow2.f32 v5;
	v5 =	vld [tilespmem:s25+$0x4000]  }
0x3c: {  	v7 =	vpop (erf);
	v8 =	vmul.f32 $1.442695020e+00, v3  }
0x3d: {  	v4 =	vmul.f32 $1.442695020e+00, v4;
	v3 =	vpop (erf)  }
0x3e: {  	s26 =	simm.s32 $0x40;
	(erf) = vpow2.f32 v8;
	v7 =	vadd.f32 v3, v7  }
0x3f: {  	v8 =	vld [tilespmem:s26+$0x0];
	(erf) = vpow2.f32 v4  }
0x40: {  	v4 =	vmax.f32 v6, v5;
	(erf) = vrcp.f32 v7;
	v7 =	vld [tilespmem:s26+$0x4000]  }
0x41: {  	v6 =	vsub.f32 v6, v4  }
0x42: {  	v5 =	vsub.f32 v5, v4  }
0x43: {  	v9 =	vpop (erf);
	v6 =	vmul.f32 $1.442695020e+00, v6  }
0x44: {  	v5 =	vmul.f32 $1.442695020e+00, v5;
	v4 =	vpop (erf)  }
0x45: {  	s28 =	simm.s32 $0x50;
	(erf) = vpow2.f32 v6;
	v10 =	vadd.f32 v4, v9;
	v6 =	vmax.f32 v8, v7  }
0x46: {  	(erf) = vpow2.f32 v5;
	v8 =	vsub.f32 v8, v6;
	v12 =	vsub.f32 v7, v6;
	v6 =	vld [tilespmem:s28+$0x0]  }
0x47: {  	(erf) = vrcp.f32 v10;
	v7 =	vld [tilespmem:s28+$0x4000]  }
0x48: {  	v9 =	vpop (erf)  }
0x49: {  	v5 =	vpop (erf);
	v11 =	vmul.f32 $1.442695020e+00, v8  }
0x4a: {  	s0 =	simm.s32 $0x180;
	v10 =	vmul.f32 $1.442695020e+00, v12;
	v8 =	vpop (erf)  }
.LBB2_3:
0x4b: {  	s29 =	sshra.s32 s0, $0x2;
	(erf) = vpow2.f32 v11;
	v13 =	vadd.f32 v5, v9;
	v8 =	vmul.f32 v8, v3;
	v11 =	vmovc v6;
	v3 =	vmovc v4;
	p0 =	sne.s32 s0, $0xFFC0  }
.Ltmp1:
0x4c: {  	v4 =	vmovc v5;
	v6 =	vld [tilespmem:s29+$0x0];
	v12 =	vmax.f32 v11, v7;
	(erf) = vpow2.f32 v10;
	v10 =	vmov v7;
	(pc) =	sbr.rel @p0 .LBB2_3-.Ltmp1, $4  }
0x4d: {  	v7 =	vld [tilespmem:s29+$0x4000];
	v14 =	vsub.f32 v11, v12;
	(erf) = vrcp.f32 v13;
	v13 =	vsub.f32 $0.0e+00, v8  }
0x4e: {  	s0 =	sadd.s32 $0x40, s0;
	v10 =	vsub.f32 v10, v12;
	v9 =	vpop (erf)  }
0x4f: {  	v11 =	vmul.f32 $1.442695020e+00, v14;
	v5 =	vpop (erf);
	[tilespmem:s22+$0x10000] =	vst v13;
	s22 =	smov.u32 s23;
	s23 =	smov.u32 s24;
	s24 =	smov.u32 s25  }
0x50: {  	v10 =	vmul.f32 $1.442695020e+00, v10;
	s25 =	smov.u32 s26;
	s26 =	smov.u32 s28;
	s28 =	smov.u32 s29;
	v8 =	vpop (erf)  }
0x51: {  	_ = 	snop  }
0x52: {  	v12 =	vmax.f32 v6, v7  }
0x53: {  	v6 =	vsub.f32 v6, v12  }
0x54: {  	(erf) = vpow2.f32 v11;
	v9 =	vadd.f32 v5, v9;
	v7 =	vsub.f32 v7, v12  }
0x55: {  	(erf) = vpow2.f32 v10;
	v6 =	vmul.f32 $1.442695020e+00, v6  }
0x56: {  	(erf) = vrcp.f32 v9;
	v7 =	vmul.f32 $1.442695020e+00, v7  }
0x57: {  	(erf) = vpow2.f32 v6  }
0x58: {  	(erf) = vpow2.f32 v7;
	_ =	sdelay $0x1  }
0x59: {  	v49 =	vpop (erf)  }
0x5a: {  	v50 =	vpop (erf)  }
0x5b: {  	v51 =	vpop (erf)  }
0x5c: {  	v52 =	vpop (erf)  }
0x5d: {  	v53 =	vpop (erf)  }
0x5e: {  	v54 =	vpop (erf)  }
0x5f: {  	v6 =	vadd.f32 v50, v49;
	v13 =	vpop (erf)  }
0x60: {  	v10 =	vadd.f32 v53, v52;
	v14 =	vpop (erf)  }
0x61: {  	(erf) = vrcp.f32 v6;
	v55 =	vadd.f32 v14, v13  }
0x62: {  	(erf) = vrcp.f32 v10  }
0x63: {  	(erf) = vrcp.f32 v55;
	_ =	sdelay $0x4  }
0x64: {  	v3 =	vmul.f32 v8, v3  }
0x65: {  	v4 =	vmul.f32 v51, v4  }
0x66: {  	v3 =	vsub.f32 $0.0e+00, v3;
	v56 =	vmul.f32 v54, v5;
	v57 =	vpop (erf)  }
0x67: {  	v4 =	vsub.f32 $0.0e+00, v4;
	v6 =	vmul.f32 v57, v50;
	v58 =	vpop (erf)  }
0x68: {  	[tilespmem:s22+$0x10000] =	vst v3;
	v3 =	vsub.f32 $0.0e+00, v56;
	v59 =	vmul.f32 v58, v53;
	v60 =	vpop (erf)  }
0x69: {  	[tilespmem:s23+$0x10000] =	vst v4;
	v61 =	vsub.f32 $0.0e+00, v6;
	v62 =	vmul.f32 v60, v14  }
0x6a: {  	[tilespmem:s24+$0x10000] =	vst v3;
	v3 =	vsub.f32 $0.0e+00, v59  }
0x6b: {  	[tilespmem:s25+$0x10000] =	vst v61;
	v63 =	vsub.f32 $0.0e+00, v62  }
0x6c: {  	[tilespmem:s26+$0x10000] =	vst v3  }
0x6d: {  	s22 =	simm.f32 $0.0e+00;
	[tilespmem:s28+$0x10000] =	vst v63  }
.LBB2_5:
0x6e: {  	v4 =	vmov s21;
	_ =	sdelay $0x1  }
0x6f: {  	s0 =	simm.s32 $0x8000  }
0x70: {  	s23 =	simm.s32 $0xC000;
	v5 =	vld [tilespmem:s0+$0x0]  }
0x71: {  	v6 =	vld [tilespmem:s23+$0x0]  }
0x72: {  	v3 =	vld.idx.msk [tilespmem:v4+s16+$0x0], $0xffff  }
0x73: {  	v4 =	vld.idx.msk [tilespmem:v4+s17+$0x0], $0xffff;
	_ =	sdelay $0x4  }
0x74: {  	v5 =	vsub.f32 v5, v3;
	v6 =	vsub.f32 v6, v4;
	_ =	sdelay $0x1  }
0x75: {  	s25 =	simm.s32 $0x8010;
	v5 =	vmul.f32 v5, v5;
	v6 =	vmul.f32 v6, v6  }
0x76: {  	s26 =	simm.s32 $0xC010;
	v7 =	vld [tilespmem:s25+$0x0]  }
0x77: {  	v8 =	vld [tilespmem:s26+$0x0];
	v5 =	vadd.f32 v6, v5;
	_ =	sdelay $0x1  }
0x78: {  	v6 =	vshrl.u32 v5, $0x1;
	v10 =	vmul.f32 $5.000000000e-01, v5  }
0x79: {  	v9 =	vsub.s32 $0x5F3759DF, v6  }
0x7a: {  	v6 =	vsub.f32 v7, v3;
	v7 =	vmul.f32 v9, v10  }
0x7b: {  	v8 =	vsub.f32 v8, v4  }
0x7c: {  	v7 =	vmul.f32 v9, v7  }
0x7d: {  	s24 =	simm.s32 $0xC020;
	v8 =	vmul.f32 v8, v8;
	v6 =	vmul.f32 v6, v6  }
0x7e: {  	s23 =	simm.s32 $0x8020;
	v12 =	vld [tilespmem:s24+$0x0];
	v7 =	vsub.f32 $1.500000000e+00, v7  }
0x7f: {  	v11 =	vld [tilespmem:s23+$0x0];
	v6 =	vadd.f32 v8, v6  }
0x80: {  	v7 =	vmul.f32 v9, v7  }
0x81: {  	v8 =	vshrl.u32 v6, $0x1;
	v9 =	vmul.f32 $5.000000000e-01, v6  }
0x82: {  	v13 =	vsub.s32 $0x5F3759DF, v8;
	v8 =	vmul.f32 v7, v10  }
0x83: {  	v14 =	vmul.f32 v13, v9  }
0x84: {  	v11 =	vsub.f32 v11, v3;
	v12 =	vsub.f32 v12, v4;
	v8 =	vmul.f32 v8, v7  }
0x85: {  	v14 =	vmul.f32 v13, v14  }
0x86: {  	s25 =	simm.s32 $0x8030;
	v11 =	vmul.f32 v11, v11;
	v12 =	vmul.f32 v12, v12;
	v15 =	vsub.f32 $1.500000000e+00, v8  }
0x87: {  	s26 =	simm.s32 $0xC030;
	v16 =	vld [tilespmem:s25+$0x0];
	v14 =	vsub.f32 $1.500000000e+00, v14  }
0x88: {  	v17 =	vld [tilespmem:s26+$0x0];
	v8 =	vadd.f32 v12, v11;
	v18 =	vmul.f32 v15, v7  }
0x89: {  	v13 =	vmul.f32 v13, v14  }
0x8a: {  	v7 =	vshrl.u32 v8, $0x1;
	v11 =	vmul.f32 $5.000000000e-01, v8;
	v10 =	vmul.f32 v18, v10  }
0x8b: {  	v15 =	vsub.s32 $0x5F3759DF, v7;
	v7 =	vmul.f32 v13, v9  }
0x8c: {  	v14 =	vmul.f32 v15, v11;
	v10 =	vmul.f32 v10, v18  }
0x8d: {  	v12 =	vsub.f32 v16, v3;
	v16 =	vsub.f32 v17, v4;
	v7 =	vmul.f32 v7, v13  }
0x8e: {  	s30 =	simm.s32 $0x8040;
	v14 =	vmul.f32 v15, v14;
	v21 =	vsub.f32 $1.500000000e+00, v10  }
0x8f: {  	s29 =	simm.s32 $0x10000;
	s28 =	simm.s32 $0x20;
	v17 =	vld [tilespmem:s30+$0x0];
	v20 =	vmul.f32 v12, v12;
	v22 =	vmul.f32 v16, v16;
	v23 =	vsub.f32 $1.500000000e+00, v7  }
0x90: {  	s31 =	simm.s32 $0xC040;
	s24 =	simm.s32 $0x40;
	s0 =	simm.s32 $0x50;
	v12 =	vld [tilespmem:s29+$0x0];
	v10 =	vimm.f32 $+Inf;
	v19 =	vsub.f32 $1.500000000e+00, v14;
	v16 =	vmul.f32 v21, v18  }
0x91: {  	s23 =	simm.s32 $0x0;
	s25 =	simm.s32 $0x10;
	s26 =	simm.s32 $0x30;
	v7 =	vimm.s32 $0x4000;
	v14 =	vadd.f32 v22, v20;
	v18 =	vld [tilespmem:s31+$0x0];
	v13 =	vmul.f32 v23, v13  }
.LBB2_6:
0x92: {  	p0 =	sne.s32 s0, $0x3FF0;
	v20 =	vmul.f32 v15, v19;
	v16 =	vmul.f32 v16, v5;
	v21 =	vor.u32 s23, v0;
	v5 =	vmovc v6;
	v6 =	vmovc v8;
	s23 =	smov.u32 s25;
	s25 =	smov.u32 s28  }
0x93: {  	s28 =	smov.u32 s26;
	s26 =	smov.u32 s24;
	s24 =	smov.u32 s0;
	v15 =	vshrl.u32 v14, $0x1;
	v19 =	vmul.f32 v13, v9;
	v9 =	vmovc v11;
	v11 =	vmul.f32 $5.000000000e-01, v14;
	v8 =	vmovc v14  }
0x94: {  	v15 =	vsub.s32 $0x5F3759DF, v15;
	v14 =	vmul.f32 v20, v9;
	v16 =	vmul.f32 $5.000000070e-02, v16  }
0x95: {  	v17 =	vsub.f32 v17, v3;
	v22 =	vmul.f32 v15, v11;
	v19 =	vmul.f32 v19, v13  }
.Ltmp2:
0x96: {  	v18 =	vsub.f32 v18, v4;
	v14 =	vmul.f32 v14, v20;
	v23 =	vadd.f32 v16, v12;
	(pc) =	sbr.rel @p0 .LBB2_6-.Ltmp2, $4  }
0x97: {  	s29 =	sadd.s32 $0x10, s29;
	v24 =	vmul.f32 v17, v17;
	v16 =	vmul.f32 v15, v22;
	v22 =	vsub.f32 $1.500000000e+00, v19  }
0x98: {  	s30 =	sadd.s32 $0x10, s30;
	v25 =	vmul.f32 v18, v18;
	v26 =	vsub.f32 $1.500000000e+00, v14;
	v12 =	vld [tilespmem:s29+$0x0];
	vm2 =	vlt.f32 v23, v10  }
0x99: {  	s31 =	sadd.s32 $0x10, s31;
	v17 =	vld [tilespmem:s30+$0x0];
	v19 =	vsub.f32 $1.500000000e+00, v16;
	v16 =	vmul.f32 v22, v13;
	v10 =	vsel vm2, v23, v10  }
0x9a: {  	s0 =	sadd.s32 $0x10, s0;
	v7 =	vsel vm2, v21, v7;
	v18 =	vld [tilespmem:s31+$0x0];
	v14 =	vadd.f32 v25, v24;
	v13 =	vmul.f32 v26, v20  }
0x9b: {  	_ =	sdelay $0x3  }
0x9c: {  	v17 =	vsub.f32 v17, v3;
	v18 =	vsub.f32 v18, v4;
	_ =	sdelay $0x1  }
0x9d: {  	v17 =	vmul.f32 v17, v17;
	v18 =	vmul.f32 v18, v18;
	_ =	sdelay $0x1  }
0x9e: {  	v20 =	vshrl.u32 v14, $0x1;
	v21 =	vmul.f32 $5.000000000e-01, v14;
	v17 =	vadd.f32 v18, v17  }
0x9f: {  	v62 =	vsub.s32 $0x5F3759DF, v20  }
0xa0: {  	v20 =	vmul.f32 v62, v21;
	v22 =	vshrl.u32 v17, $0x1;
	v23 =	vmul.f32 $5.000000000e-01, v17  }
0xa1: {  	v22 =	vsub.s32 $0x5F3759DF, v22  }
0xa2: {  	v20 =	vmul.f32 v62, v20;
	v24 =	vmul.f32 v22, v23  }
0xa3: {  	v15 =	vmul.f32 v15, v19  }
0xa4: {  	v63 =	vsub.f32 $1.500000000e+00, v20;
	v28 =	vmul.f32 v22, v24  }
0xa5: {  	v29 =	vmul.f32 v15, v11  }
0xa6: {  	v18 =	vmul.f32 v62, v63;
	v30 =	vsub.f32 $1.500000000e+00, v28  }
0xa7: {  	v31 =	vmul.f32 v29, v15  }
0xa8: {  	v32 =	vmul.f32 v18, v21;
	v19 =	vmul.f32 v22, v30  }
0xa9: {  	v20 =	vsub.f32 $1.500000000e+00, v31  }
0xaa: {  	v33 =	vmul.f32 v32, v18;
	v34 =	vmul.f32 v19, v23  }
0xab: {  	v9 =	vmul.f32 v13, v9;
	v15 =	vmul.f32 v20, v15  }
0xac: {  	v35 =	vsub.f32 $1.500000000e+00, v33;
	v36 =	vmul.f32 v34, v19  }
0xad: {  	v9 =	vmul.f32 v9, v13;
	v37 =	vmul.f32 v15, v11  }
0xae: {  	v18 =	vmul.f32 v35, v18;
	v38 =	vsub.f32 $1.500000000e+00, v36  }
0xaf: {  	v5 =	vmul.f32 v16, v5;
	v9 =	vsub.f32 $1.500000000e+00, v9;
	v11 =	vmul.f32 v37, v15  }
0xb0: {  	v39 =	vmul.f32 v18, v21;
	v19 =	vmul.f32 v38, v19  }
0xb1: {  	s0 =	sadd.s32 $0x10, s29;
	v5 =	vmul.f32 $5.000000070e-02, v5;
	v9 =	vmul.f32 v9, v13;
	v11 =	vsub.f32 $1.500000000e+00, v11  }
0xb2: {  	v40 =	vld [tilespmem:s0+$0x0];
	v16 =	vmul.f32 v39, v18;
	v20 =	vmul.f32 v19, v23  }
0xb3: {  	v6 =	vmul.f32 v9, v6;
	v41 =	vmul.f32 v11, v15  }
0xb4: {  	s0 =	sadd.s32 $0x10, s0;
	v42 =	vsub.f32 $1.500000000e+00, v16;
	v43 =	vmul.f32 v20, v19  }
0xb5: {  	v44 =	vld [tilespmem:s0+$0x0];
	v5 =	vadd.f32 v5, v12;
	v6 =	vmul.f32 $5.000000070e-02, v6;
	v8 =	vmul.f32 v41, v8  }
0xb6: {  	s0 =	sadd.s32 $0x10, s0;
	v45 =	vmul.f32 v42, v18;
	v46 =	vsub.f32 $1.500000000e+00, v43  }
0xb7: {  	v47 =	vld [tilespmem:s0+$0x0];
	vm2 =	vlt.f32 v5, v10;
	v6 =	vadd.f32 v6, v40;
	v8 =	vmul.f32 $5.000000070e-02, v8  }
0xb8: {  	s0 =	sadd.s32 $0x10, s0;
	v5 =	vsel vm2, v5, v10;
	v9 =	vmul.f32 v45, v14;
	v48 =	vmul.f32 v46, v19  }
0xb9: {  	v49 =	vld [tilespmem:s0+$0x0];
	vm3 =	vlt.f32 v6, v5  }
0xba: {  	v8 =	vadd.f32 v8, v44;
	v9 =	vmul.f32 $5.000000070e-02, v9;
	v10 =	vmul.f32 v48, v17  }
0xbb: {  	v5 =	vsel vm3, v6, v5  }
0xbc: {  	vm4 =	vlt.f32 v8, v5;
	v50 =	vadd.f32 v9, v47;
	v51 =	vmul.f32 $5.000000070e-02, v10  }
0xbd: {  	v5 =	vsel vm4, v8, v5  }
0xbe: {  	vm5 =	vlt.f32 v50, v5;
	v52 =	vadd.f32 v51, v49  }
0xbf: {  	v5 =	vsel vm5, v50, v5  }
0xc0: {  	vm6 =	vlt.f32 v52, v5  }
0xc1: {  	v5 =	vsel vm6, v52, v5  }
0xc2: {  	(xrf0) =	vmin.scan.msk.f32 $0xffff, v5;
	_ =	sdelay $0x2  }
0xc3: {  	v53 =	vor.u32 s23, v0  }
0xc4: {  	v54 =	vor.u32 s25, v0;
	v6 =	vsel vm2, v53, v7  }
0xc5: {  	v55 =	vor.u32 s28, v0;
	v6 =	vsel vm3, v54, v6  }
0xc6: {  	v56 =	vor.u32 s26, v0;
	v6 =	vsel vm4, v55, v6;
	v57, _, _ =	vpop (xrf0)  }
0xc7: {  	v58 =	vor.u32 s24, v0;
	v6 =	vsel vm5, v56, v6;
	v8 =	vbroadcast v57, $0xF  }
0xc8: {  	v6 =	vsel vm6, v58, v6  }
0xc9: {  	v59 =	vxor.u32 $0x80000000, v6;
	vm2 =	veq.f32 v5, v8  }
0xca: {  	v5 =	vnsel vm2, $0x80008000, v59  }
0xcb: {  	(xrf0) =	vmin.scan.msk.u32 $0xffff, v5;
	_ =	sdelay $0x5  }
0xcc: {  	v5, _, _ =	vpop (xrf0)  }
0xcd: {  	(v2sf) =	vpush v5, $0xF;
	_ =	sdelay $0xe  }
0xce: {  	s30 =	spop (v2sf)  }
0xcf: {  	s0 =	sxor.u32 $0x80000000, s30  }
0xd0: {  	v60 =	vmov s0;
	_ =	sdelay $0x4  }
0xd1: {  	v61 =	vld.idx.msk [tilespmem:v60+s14+$0x0], $0xffff  }
0xd2: {  	v62 =	vld.idx.msk [tilespmem:v60+s15+$0x0], $0xffff;
	_ =	sdelay $0x4  }
0xd3: {  	v3 =	vsub.f32 v61, v3;
	v63 =	vsub.f32 v62, v4;
	_ =	sdelay $0x1  }
0xd4: {  	v3 =	vmul.f32 v3, v3;
	v4 =	vmul.f32 v63, v63;
	_ =	sdelay $0x1  }
0xd5: {  	v3 =	vadd.f32 v4, v3;
	_ =	sdelay $0x1  }
0xd6: {  	v3 =	vnsel vm0, $0x0, v3  }
0xd7: {  	(xrf2) =	vadd.scan.msk.f32 $0xffff, v3;
	_ =	sdelay $0x9  }
0xd8: {  	v3, _, _ =	vpop (xrf2)  }
0xd9: {  	(v2sf) =	vpush v3, $0xF;
	_ =	sdelay $0x9  }
0xda: {  	s21 =	sadd.s32 $0x1, s21  }
0xdb: {  	p0 =	sne.s32 s21, $0x200  }
.Ltmp3:
0xdc: {  	_ = 	snop;
	(pc) =	sbr.rel @p0 .LBB2_5-.Ltmp3, $3  }
0xdd: {  	_ =	sdelay $0x1  }
0xde: {  	s31 =	spop (v2sf)  }
0xdf: {  	[tilespmem:v60+s18+$0x0] =	vst.idx.msk $0x1, v1;
	s22 =	sadd.f32 s31, s22  }
0xe0: {  	_ = 	snop  }
0xe1: {  	v3 =	vmov s22  }
0xe2: {  	v3 =	vnsel vm1, $0x0, v3  }
0xe3: {  	s0 =	simm.s32 $0x0;
	[tilespmem:$0x14400] =	vst v3  }
0xe4: {  	v3 =	vld [tilespmem:s0+$0x10000]  }
0xe5: {  	s21 =	simm.s32 $0x40  }
.LBB2_9:
0xe6: {  	p0 =	sne.s32 s21, $0xFFC0  }
.Ltmp4:
0xe7: {  	_ = 	snop;
	(pc) =	sbr.rel @p0 .LBB2_9-.Ltmp4, $4  }
0xe8: {  	_ = 	snop  }
0xe9: {  	s22 =	sshra.s32 s21, $0x2;
	s21 =	sadd.s32 $0x40, s21;
	vm2 =	veq.f32 v3, $+Inf  }
0xea: {  	v3 =	vld [tilespmem:s22+$0x10000];
	v4 =	vsel vm2, $0x3F800000, v2  }
0xeb: {  	[tilespmem:s0+$0x0] =	vst v4;
	s0 =	smov.u32 s22  }
0xec: {  	_ =	sdelay $0x2  }
0xed: {  	vm2 =	veq.f32 v3, $+Inf  }
0xee: {  	v3 =	vsel vm2, $0x3F800000, v2  }
0xef: {  	[tilespmem:s0+$0x0] =	vst v3  }
0xf0: {  	[hbm4b:s8+s2] =	stream.linear.scatter [tilespmem:s2], [sflag:$0x1], $0x4000, $0x38;
	[tilespmem:$0x14480] =	vst v63  }
0xf1: {  	s20 =	sadd.s32 $0x1, s20;
	_ =	swait.ge [sflag:s12], $0x4000  }
0xf2: {  	p0 =	sne.s32 s20, s11;
	[sflag:s12] =	ssyncset.done $0x0  }
.Ltmp5:
0xf3: {  	[sflag:s12] =	ssyncadd.s32 $0xFFFFC000;
	(pc) =	sbr.rel @p0 .LBB2_2-.Ltmp5, $4  }
0xf4: {  	[hbm4b:s9+s2] =	stream.linear.scatter [tilespmem:s19], [sflag:$0x1], $0x10, $0x38;
	[tilespmem:$0x14480] =	vst v63  }
0xf5: {  	_ =	swait.ge [sflag:s12], $0x10  }
0xf6: {  	[sflag:s12] =	ssyncset.done $0x0  }
0xf7: {  	[sflag:s12] =	ssyncadd.s32 $0xFFFFFFF0  }
.LBB2_11:
0xf8: {  	_ =	sfence.sel $0x180000  }
0xf9: {  	[bflag:$0x0] =	sbarrier.arrive $0xFFFF  }
0xfa: {  	_ =	strace $0x90000047  }
0xfb: {  	[bflag:$0x2] =	sbarrier.arrive $0xFFFF  }
0xfc: {  	p0 =	sne.s32 s1, $0x0;
	s0 =	rddreg [dreg:$0x1]  }
0xfd: {  	s0 =	sadd.s32 @!p0 $0x100000, s0  }
0xfe: {  	[sflag:s0] =	ssyncadd.tile.s32 @!p0 $0x1;
	_ =	shalt  }
.Lfunc_end2:
_tile_overlayer_lowered:
.L_overlay_start_2:
0xff: {  	(tag) =	ssettag $0x2  }
0x100: {  	s0 =	rddreg [dreg:$0x0];
	s2 =	stileid.u32  }
0x101: {  	s1 =	rddreg [dreg:$0x1];
	p0 =	sne.s32 s2, $0x0  }
0x102: {  	s3 =	rddreg [dreg:$0x2];
	[bflag:$0x3] =	sbarrier.arrive $0xFFFF;
	s2 =	simm.s32 @!p0 $0x1C01  }
0x103: {  	[timem:s3], [sflag:s2] =	dma.local @!p0 [hbm:s0], s1  }
0x104: {  	s0 =	simm.s32 @!p0 $0x1  }
0x105: {  	_ =	swait.ge @!p0 [sflag:s0], s1  }
0x106: {  	s1 =	ssub.s32 @!p0 $0x0, s1;
	[sflag:s0] =	ssyncset.done @!p0 $0x0  }
0x107: {  	[sflag:s0] =	ssyncadd.s32 @!p0 s1  }
0x108: {  	[bflag:$0x3] =	sbarrier.arrive $0xFFFF  }
0x109: {  	_ =	shalt  }

</sc_bundles>
